<compile_context>
chip_gen: v7x
topology: tpu7x:2x2x1
jax: 0.10.2.dev20260603
libtpu: 0.0.44.dev20260713+nightly
codegen_flags: <defaults>
</compile_context>

<pallas_src>
import functools

import jax
import jax.numpy as jnp
from jax import lax
from jax.experimental import pallas as pl
from jax.experimental.pallas import tpu as pltpu
from jax.experimental.pallas import tpu_sc as plsc

CUT2 = 100.0
K = 32
BIG = 1.0e30
RA = 256
CCA = 512
NW = 32
PIECE = 512


def _fill_body(clo_ref, chi_ref, posp_blk, posTp, bat_blk, bat_row, d2_out, *, N):
    g = pl.program_id(0)
    c_lo = clo_ref[g]
    c_hi = chi_ref[g]

    xi = posp_blk[:, 0:1]
    yi = posp_blk[:, 1:2]
    zi = posp_blk[:, 2:3]
    sqi = (xi * xi + yi * yi) + zi * zi
    bi = bat_blk[:, 0:1]
    rowg = g * RA + lax.broadcasted_iota(jnp.int32, (RA, 1), 0)

    def compute_chunk(c, _):
        cols = pl.ds(c * CCA, CCA)
        p = posTp[:, cols]
        xj = p[0:1, :]
        yj = p[1:2, :]
        zj = p[2:3, :]
        sqj = (xj * xj + yj * yj) + zj * zj
        gram = jnp.dot(posp_blk[...], p, preferred_element_type=jnp.float32)
        d2 = jnp.maximum((sqi + sqj) - 2.0 * gram, 0.0)
        colid = c * CCA + lax.broadcasted_iota(jnp.int32, (RA, CCA), 1)
        same = bi == bat_row[0:1, cols]
        keep = same & (colid != rowg)
        d2_out[:, cols] = jnp.where(keep, d2, BIG)
        return 0

    lax.fori_loop(c_lo, c_hi, compute_chunk, 0)


def _fill(N):
    grid_spec = pltpu.PrefetchScalarGridSpec(
        num_scalar_prefetch=2,
        grid=(N // RA,),
        in_specs=[
            pl.BlockSpec((RA, 8), lambda i, clo, chi: (i, 0)),
            pl.BlockSpec((8, N), lambda i, clo, chi: (0, 0)),
            pl.BlockSpec((RA, 1), lambda i, clo, chi: (i, 0)),
            pl.BlockSpec((1, N), lambda i, clo, chi: (0, 0)),
        ],
        out_specs=[pl.BlockSpec((RA, N), lambda i, clo, chi: (i, 0))],
    )
    return pl.pallas_call(
        functools.partial(_fill_body, N=N),
        grid_spec=grid_spec,
        out_shape=[jax.ShapeDtypeStruct((N, N), jnp.float32)],
    )


def _sc_select(N):
    RPW = N // NW
    NCH = N // 16
    mesh = plsc.VectorSubcoreMesh(core_axis_name="c", subcore_axis_name="s")

    @functools.partial(
        pl.kernel,
        mesh=mesh,
        out_type=[
            jax.ShapeDtypeStruct((N * K,), jnp.int32),
            jax.ShapeDtypeStruct((N * K,), jnp.float32),
        ],
        scratch_types=[
            pltpu.VMEM((N + 16,), jnp.float32),
            pltpu.VMEM((N + 16,), jnp.float32),
            pltpu.VMEM((N + 16,), jnp.float32),
            pltpu.VMEM((N + 16,), jnp.float32),
            pltpu.VMEM((NCH + 16,), jnp.float32),
            pltpu.VMEM((NW + 16,), jnp.int32),
            pltpu.VMEM((NW + 16,), jnp.int32),
            pltpu.VMEM((RPW * K + 16,), jnp.int32),
            pltpu.VMEM((RPW * K + 16,), jnp.float32),
            pltpu.VMEM((32,), jnp.float32),
            pltpu.VMEM((32,), jnp.int32),
        ],
    )
    def body(d2_hbm, px_hbm, py_hbm, pz_hbm, wlo_hbm, whi_hbm, oidx_hbm, odd_hbm,
             px_v, py_v, pz_v, row_v, cm_v, wlo_v, whi_v, oi_v, od_v, vbf, vbi):
        lane = lax.broadcasted_iota(jnp.int32, (16,), 0)
        lane0 = lane == 0

        def sload(ref, idx):
            return ref[pl.ds(idx, 16)][0]

        def sstore(ref, idx, val):
            base = (idx // 16) * 16
            off = idx - base
            v = ref[pl.ds(base, 16)]
            ref[pl.ds(base, 16)] = jnp.where(
                lane == off, jnp.zeros((16,), ref.dtype) + val, v
            )

        vbf[pl.ds(16, 16)] = jnp.full((16,), BIG, jnp.float32)
        vbi[pl.ds(16, 16)] = jnp.full((16,), 1073741824, jnp.int32)

        def vminf(x):
            for sh in (8, 4, 2, 1):
                vbf[pl.ds(0, 16)] = x
                x = jnp.minimum(x, vbf[pl.ds(sh, 16)])
            return x[0]

        def vmini(x):
            for sh in (8, 4, 2, 1):
                vbi[pl.ds(0, 16)] = x
                x = jnp.minimum(x, vbi[pl.ds(sh, 16)])
            return x[0]

        cid = lax.axis_index("c")
        sid = lax.axis_index("s")
        wid = sid * 2 + cid
        pltpu.sync_copy(px_hbm, px_v.at[pl.ds(0, N)])
        pltpu.sync_copy(py_hbm, py_v.at[pl.ds(0, N)])
        pltpu.sync_copy(pz_hbm, pz_v.at[pl.ds(0, N)])
        pltpu.sync_copy(wlo_hbm, wlo_v.at[pl.ds(0, NW)])
        pltpu.sync_copy(whi_hbm, whi_v.at[pl.ds(0, NW)])
        w0 = pl.multiple_of(sload(wlo_v, wid), PIECE)
        w1 = pl.multiple_of(sload(whi_v, wid), PIECE)
        npc = (w1 - w0) // PIECE
        nv = (w1 - w0) // 256
        r0 = wid * RPW

        def row_fn(il, _):
            i = r0 + il

            def dma_fn(t, _):
                off = pl.multiple_of(i * N + w0 + t * PIECE, PIECE)
                pltpu.sync_copy(
                    d2_hbm.at[pl.ds(off, PIECE)],
                    row_v.at[pl.ds(t * PIECE, PIECE)],
                )
                return 0

            lax.fori_loop(0, npc, dma_fn, 0)

            def cmins(t, _):
                sstore(cm_v, t, vminf(row_v[pl.ds(t * 16, 16)]))
                return 0

            lax.fori_loop(0, nv * 16, cmins, 0)
            xi = sload(px_v, i)
            yi = sload(py_v, i)
            zi = sload(pz_v, i)

            def sel_fn(k, _):
                def scan_fn(u, carry):
                    bv, bix = carry
                    c = cm_v[pl.ds(u * 16, 16)]
                    cidx = u * 16 + lane
                    t = c < bv
                    return jnp.where(t, c, bv), jnp.where(t, cidx, bix)

                bv0 = jnp.full((16,), BIG, jnp.float32)
                bi0 = jnp.full((16,), 100000, jnp.int32)
                bv, bix = lax.fori_loop(0, nv, scan_fn, (bv0, bi0))
                mv = vminf(bv)
                ci = vmini(jnp.where(bv == (jnp.zeros((16,), jnp.float32) + mv), bix, 100000))
                d = row_v[pl.ds(ci * 16, 16)]
                li = vmini(jnp.where(d == (jnp.zeros((16,), jnp.float32) + mv), lane, 15))
                p = ci * 16 + li
                jglob = w0 + p
                ok = mv <= CUT2
                xj = sload(px_v, jglob)
                yj = sload(py_v, jglob)
                zj = sload(pz_v, jglob)
                dx = xi - xj
                dy = yi - yj
                dz = zi - zj
                dd = (dx * dx + dy * dy) + dz * dz
                sstore(oi_v, il * K + k, jnp.where(ok, jglob, i))
                sstore(od_v, il * K + k, jnp.where(ok, dd, -1.0))
                sstore(row_v, p, BIG)
                sstore(cm_v, ci, vminf(row_v[pl.ds(ci * 16, 16)]))
                return 0

            lax.fori_loop(0, K, sel_fn, 0)
            return 0

        lax.fori_loop(0, RPW, row_fn, 0)
        pltpu.sync_copy(oi_v.at[pl.ds(0, RPW * K)], oidx_hbm.at[pl.ds(r0 * K, RPW * K)])
        pltpu.sync_copy(od_v.at[pl.ds(0, RPW * K)], odd_hbm.at[pl.ds(r0 * K, RPW * K)])

    return body


def _sqrt_body(dd_ref, w_ref):
    dd = dd_ref[...]
    w_ref[...] = jnp.where(dd > 0.0, jnp.sqrt(jnp.where(dd > 0.0, dd, 1.0)), 0.0)


def _sqrt_ep(N):
    return pl.pallas_call(
        _sqrt_body,
        out_shape=jax.ShapeDtypeStruct((N, K), jnp.float32),
    )


def kernel(pos, batch):
    N = pos.shape[0]
    nblk = N // RA
    batch32 = batch.astype(jnp.int32)
    posp = jnp.pad(pos, ((0, 0), (0, 5)))
    posTp = posp.T
    bat_col = batch32.reshape(N, 1)
    bat_row = batch32.reshape(1, N)
    r0 = jnp.arange(nblk, dtype=jnp.int32) * RA
    b_first = batch32[r0]
    b_last = batch32[r0 + RA - 1]
    lo = jnp.searchsorted(batch32, b_first, side="left").astype(jnp.int32)
    hi = jnp.searchsorted(batch32, b_last, side="right").astype(jnp.int32)
    clo = lo // CCA
    chi = (hi + CCA - 1) // CCA
    (d2win,) = _fill(N)(clo, chi, posp, posTp, bat_col, bat_row)
    px = pos[:, 0] + 0.0
    py = pos[:, 1] + 0.0
    pz = pos[:, 2] + 0.0
    oidx, odd = _sc_select(N)(d2win.reshape(-1), px, py, pz, clo * CCA, chi * CCA)
    w = _sqrt_ep(N)(odd.reshape(N, K))
    centers = jnp.broadcast_to(jnp.arange(N, dtype=jnp.int32)[:, None], (N, K))
    edge_index = jnp.stack([oidx, centers.reshape(-1)]).astype(jnp.int64)
    edge_weight = w.reshape(-1)
    return edge_index, edge_weight

# --- scband reference (transcript-rebuilt; emitter-appended) ---
"""Pipeline reference for scband-radius-interaction-graph-65876208386291 (READ-ONLY COPY).

The authoritative reference and input builder live on the scoring server;
editing this copy changes nothing except your own understanding.
"""

import jax, jax.numpy as jnp
import numpy as np

CUTOFF = 10.0
MAX_NEIGHBORS = 32


def setup_inputs(seed: int = 0) -> dict:
    key = jax.random.key(seed)
    k1, k2 = jax.random.split(key)
    pos = jax.random.normal(k1, (8192, 3), dtype=jnp.float32)
    batch = jnp.sort(jax.random.randint(k2, (8192,), 0, 16, dtype=jnp.int64))
    return {"pos": pos, "batch": batch}


def _build_radius_graph(pos, batch, cutoff, k):
    N = pos.shape[0]
    sq = jnp.sum(pos * pos, axis=1)
    d2 = sq[:, None] + sq[None, :] - 2.0 * (pos @ pos.T)
    d2 = jnp.maximum(d2, 0.0)
    same = batch[:, None] == batch[None, :]
    eye = jnp.eye(N, dtype=bool)
    masked = jnp.where(same & (~eye), d2, jnp.inf)
    neg_top, idx = jax.lax.top_k(-masked, k)  # k nearest within same molecule
    valid = neg_top >= -(cutoff * cutoff)
    centers = jnp.broadcast_to(jnp.arange(N)[:, None], (N, k))
    src = jnp.where(valid, idx, centers)  # padded edges are self-loops (i,i)
    row = src.reshape(-1)   # source / neighbor
    col = centers.reshape(-1)  # target / center node
    edge_index = jnp.stack([row, col]).astype(jnp.int64)
    return edge_index


def reference(pos, batch):
    edge_index = _build_radius_graph(pos, batch, CUTOFF, MAX_NEIGHBORS)
    row, col = edge_index
    diff = pos[row] - pos[col]
    d2e = jnp.sum(diff * diff, axis=-1)
    safe = jnp.where(d2e > 0.0, d2e, 1.0)
    edge_weight = jnp.where(d2e > 0.0, jnp.sqrt(safe), 0.0)
    return edge_index, edge_weight

if __name__ == "__main__":
    import jax
    _d = setup_inputs()
    print(jax.jit(kernel)(*tuple(_d.values())))

</pallas_src>

<mosaic_0001>
#map = affine_map<(d0, d1) -> (0)>
module attributes {stable_mosaic.version = 14 : i64} {
  func.func @body(%arg0: i32, %arg1: i32, %arg2: memref<67108864xf32, #tpu.memory_space<hbm>>, %arg3: memref<8192xf32, #tpu.memory_space<hbm>>, %arg4: memref<8192xf32, #tpu.memory_space<hbm>>, %arg5: memref<8192xf32, #tpu.memory_space<hbm>>, %arg6: memref<32xi32, #tpu.memory_space<hbm>>, %arg7: memref<32xi32, #tpu.memory_space<hbm>>, %arg8: memref<262144xi32, #tpu.memory_space<hbm>>, %arg9: memref<262144xf32, #tpu.memory_space<hbm>>, %arg10: memref<8208xf32, #tpu.memory_space<vmem>>, %arg11: memref<8208xf32, #tpu.memory_space<vmem>>, %arg12: memref<8208xf32, #tpu.memory_space<vmem>>, %arg13: memref<8208xf32, #tpu.memory_space<vmem>>, %arg14: memref<528xf32, #tpu.memory_space<vmem>>, %arg15: memref<48xi32, #tpu.memory_space<vmem>>, %arg16: memref<48xi32, #tpu.memory_space<vmem>>, %arg17: memref<8208xi32, #tpu.memory_space<vmem>>, %arg18: memref<8208xf32, #tpu.memory_space<vmem>>, %arg19: memref<32xf32, #tpu.memory_space<vmem>>, %arg20: memref<32xi32, #tpu.memory_space<vmem>>) attributes {dimension_semantics = [#tpu.dimension_semantics<core_parallel>, #tpu.dimension_semantics<subcore_parallel>], iteration_bounds = array<i64: 2, 16>, scalar_prefetch = 0 : i64, scratch_operands = 11 : i64, tpu.core_type = #tpu.core_type<sc_vector_subcore>, window_params = [{transform_indices = #map}, {transform_indices = #map}, {transform_indices = #map}, {transform_indices = #map}, {transform_indices = #map}, {transform_indices = #map}, {transform_indices = #map}, {transform_indices = #map}]} {
    %iota3A = tpu.iota {dimensions = array<i32: 0>} : vector<16xi32>
    %eq3A = arith.constant 0 : i32
    %eq3A_0 = vector.broadcast %eq3A : i32 to vector<16xi32>
    %eq3A_1 = arith.cmpi eq, %iota3A, %eq3A_0 : vector<16xi32>
    %broadcast_in_dim3A = arith.constant 1.000000e+30 : f32
    %broadcast_in_dim3A_2 = vector.broadcast %broadcast_in_dim3A : f32 to vector<16xf32>
    %swap3A = arith.constant 16 : index
    %swap3A_3 = tpu.vector_load %arg19[%swap3A] {strides = array<i32>} : memref<32xf32, #tpu.memory_space<vmem>>, vector<16xf32>,
    %swap3A_4 = vector.shape_cast %swap3A_3 : vector<16xf32> to vector<16xf32>
    %swap3A_5 = vector.shape_cast %broadcast_in_dim3A_2 : vector<16xf32> to vector<16xf32>
    tpu.vector_store %arg19[%swap3A], %swap3A_5 {strides = array<i32>} : memref<32xf32, #tpu.memory_space<vmem>>, vector<16xf32>,
    %broadcast_in_dim3A_6 = arith.constant 1073741824 : i32
    %broadcast_in_dim3A_7 = vector.broadcast %broadcast_in_dim3A_6 : i32 to vector<16xi32>
    %swap3A_8 = arith.constant 16 : index
    %swap3A_9 = tpu.vector_load %arg20[%swap3A_8] {strides = array<i32>} : memref<32xi32, #tpu.memory_space<vmem>>, vector<16xi32>,
    %swap3A_10 = vector.shape_cast %swap3A_9 : vector<16xi32> to vector<16xi32>
    %swap3A_11 = vector.shape_cast %broadcast_in_dim3A_7 : vector<16xi32> to vector<16xi32>
    tpu.vector_store %arg20[%swap3A_8], %swap3A_11 {strides = array<i32>} : memref<32xi32, #tpu.memory_space<vmem>>, vector<16xi32>,
    %mul3A = arith.constant 2 : i32
    %mul3A_12 = arith.muli %arg1, %mul3A : i32
    %add3A = arith.addi %mul3A_12, %arg0 : i32
    "tpu.region"() ({
      %run_scoped3A = tpu.sem_alloc : memref<!tpu.dma_semaphore, #tpu.memory_space<semaphore_mem>>
      %dma_start3A = arith.constant 0 : i32
      %dma_start3A_75 = tpu.memref_slice %arg10[%dma_start3A] : memref<8208xf32, #tpu.memory_space<vmem>> -> memref<8192xf32, #tpu.memory_space<vmem>>
      %dma_start3A_76 = arith.constant 0 : i32
      %dma_start3A_77 = tpu.memref_slice %arg10[%dma_start3A_76] : memref<8208xf32, #tpu.memory_space<vmem>> -> memref<8192xf32, #tpu.memory_space<vmem>>
      tpu.enqueue_dma source(%arg3 : memref<8192xf32, #tpu.memory_space<hbm>>) target(%dma_start3A_77 : memref<8192xf32, #tpu.memory_space<vmem>>) target_semaphore(%run_scoped3A : memref<!tpu.dma_semaphore, #tpu.memory_space<semaphore_mem>>)
      %dma_wait3A = arith.constant 0 : i32
      %dma_wait3A_78 = tpu.memref_slice %arg10[%dma_wait3A] : memref<8208xf32, #tpu.memory_space<vmem>> -> memref<8192xf32, #tpu.memory_space<vmem>>
      %dma_wait3A_79 = arith.constant 0 : i32
      %dma_wait3A_80 = tpu.memref_slice %arg10[%dma_wait3A_79] : memref<8208xf32, #tpu.memory_space<vmem>> -> memref<8192xf32, #tpu.memory_space<vmem>>
      tpu.wait_dma2 semaphore(%run_scoped3A : memref<!tpu.dma_semaphore, #tpu.memory_space<semaphore_mem>>) src(%arg3 : memref<8192xf32, #tpu.memory_space<hbm>>) dst(%dma_wait3A_80 : memref<8192xf32, #tpu.memory_space<vmem>>)
      tpu.yield
    }) : () -> ()
    "tpu.region"() ({
      %run_scoped3A = tpu.sem_alloc : memref<!tpu.dma_semaphore, #tpu.memory_space<semaphore_mem>>
      %dma_start3A = arith.constant 0 : i32
      %dma_start3A_75 = tpu.memref_slice %arg11[%dma_start3A] : memref<8208xf32, #tpu.memory_space<vmem>> -> memref<8192xf32, #tpu.memory_space<vmem>>
      %dma_start3A_76 = arith.constant 0 : i32
      %dma_start3A_77 = tpu.memref_slice %arg11[%dma_start3A_76] : memref<8208xf32, #tpu.memory_space<vmem>> -> memref<8192xf32, #tpu.memory_space<vmem>>
      tpu.enqueue_dma source(%arg4 : memref<8192xf32, #tpu.memory_space<hbm>>) target(%dma_start3A_77 : memref<8192xf32, #tpu.memory_space<vmem>>) target_semaphore(%run_scoped3A : memref<!tpu.dma_semaphore, #tpu.memory_space<semaphore_mem>>)
      %dma_wait3A = arith.constant 0 : i32
      %dma_wait3A_78 = tpu.memref_slice %arg11[%dma_wait3A] : memref<8208xf32, #tpu.memory_space<vmem>> -> memref<8192xf32, #tpu.memory_space<vmem>>
      %dma_wait3A_79 = arith.constant 0 : i32
      %dma_wait3A_80 = tpu.memref_slice %arg11[%dma_wait3A_79] : memref<8208xf32, #tpu.memory_space<vmem>> -> memref<8192xf32, #tpu.memory_space<vmem>>
      tpu.wait_dma2 semaphore(%run_scoped3A : memref<!tpu.dma_semaphore, #tpu.memory_space<semaphore_mem>>) src(%arg4 : memref<8192xf32, #tpu.memory_space<hbm>>) dst(%dma_wait3A_80 : memref<8192xf32, #tpu.memory_space<vmem>>)
      tpu.yield
    }) : () -> ()
    "tpu.region"() ({
      %run_scoped3A = tpu.sem_alloc : memref<!tpu.dma_semaphore, #tpu.memory_space<semaphore_mem>>
      %dma_start3A = arith.constant 0 : i32
      %dma_start3A_75 = tpu.memref_slice %arg12[%dma_start3A] : memref<8208xf32, #tpu.memory_space<vmem>> -> memref<8192xf32, #tpu.memory_space<vmem>>
      %dma_start3A_76 = arith.constant 0 : i32
      %dma_start3A_77 = tpu.memref_slice %arg12[%dma_start3A_76] : memref<8208xf32, #tpu.memory_space<vmem>> -> memref<8192xf32, #tpu.memory_space<vmem>>
      tpu.enqueue_dma source(%arg5 : memref<8192xf32, #tpu.memory_space<hbm>>) target(%dma_start3A_77 : memref<8192xf32, #tpu.memory_space<vmem>>) target_semaphore(%run_scoped3A : memref<!tpu.dma_semaphore, #tpu.memory_space<semaphore_mem>>)
      %dma_wait3A = arith.constant 0 : i32
      %dma_wait3A_78 = tpu.memref_slice %arg12[%dma_wait3A] : memref<8208xf32, #tpu.memory_space<vmem>> -> memref<8192xf32, #tpu.memory_space<vmem>>
      %dma_wait3A_79 = arith.constant 0 : i32
      %dma_wait3A_80 = tpu.memref_slice %arg12[%dma_wait3A_79] : memref<8208xf32, #tpu.memory_space<vmem>> -> memref<8192xf32, #tpu.memory_space<vmem>>
      tpu.wait_dma2 semaphore(%run_scoped3A : memref<!tpu.dma_semaphore, #tpu.memory_space<semaphore_mem>>) src(%arg5 : memref<8192xf32, #tpu.memory_space<hbm>>) dst(%dma_wait3A_80 : memref<8192xf32, #tpu.memory_space<vmem>>)
      tpu.yield
    }) : () -> ()
    "tpu.region"() ({
      %run_scoped3A = tpu.sem_alloc : memref<!tpu.dma_semaphore, #tpu.memory_space<semaphore_mem>>
      %dma_start3A = arith.constant 0 : i32
      %dma_start3A_75 = tpu.memref_slice %arg15[%dma_start3A] : memref<48xi32, #tpu.memory_space<vmem>> -> memref<32xi32, #tpu.memory_space<vmem>>
      %dma_start3A_76 = arith.constant 0 : i32
      %dma_start3A_77 = tpu.memref_slice %arg15[%dma_start3A_76] : memref<48xi32, #tpu.memory_space<vmem>> -> memref<32xi32, #tpu.memory_space<vmem>>
      tpu.enqueue_dma source(%arg6 : memref<32xi32, #tpu.memory_space<hbm>>) target(%dma_start3A_77 : memref<32xi32, #tpu.memory_space<vmem>>) target_semaphore(%run_scoped3A : memref<!tpu.dma_semaphore, #tpu.memory_space<semaphore_mem>>)
      %dma_wait3A = arith.constant 0 : i32
      %dma_wait3A_78 = tpu.memref_slice %arg15[%dma_wait3A] : memref<48xi32, #tpu.memory_space<vmem>> -> memref<32xi32, #tpu.memory_space<vmem>>
      %dma_wait3A_79 = arith.constant 0 : i32
      %dma_wait3A_80 = tpu.memref_slice %arg15[%dma_wait3A_79] : memref<48xi32, #tpu.memory_space<vmem>> -> memref<32xi32, #tpu.memory_space<vmem>>
      tpu.wait_dma2 semaphore(%run_scoped3A : memref<!tpu.dma_semaphore, #tpu.memory_space<semaphore_mem>>) src(%arg6 : memref<32xi32, #tpu.memory_space<hbm>>) dst(%dma_wait3A_80 : memref<32xi32, #tpu.memory_space<vmem>>)
      tpu.yield
    }) : () -> ()
    "tpu.region"() ({
      %run_scoped3A = tpu.sem_alloc : memref<!tpu.dma_semaphore, #tpu.memory_space<semaphore_mem>>
      %dma_start3A = arith.constant 0 : i32
      %dma_start3A_75 = tpu.memref_slice %arg16[%dma_start3A] : memref<48xi32, #tpu.memory_space<vmem>> -> memref<32xi32, #tpu.memory_space<vmem>>
      %dma_start3A_76 = arith.constant 0 : i32
      %dma_start3A_77 = tpu.memref_slice %arg16[%dma_start3A_76] : memref<48xi32, #tpu.memory_space<vmem>> -> memref<32xi32, #tpu.memory_space<vmem>>
      tpu.enqueue_dma source(%arg7 : memref<32xi32, #tpu.memory_space<hbm>>) target(%dma_start3A_77 : memref<32xi32, #tpu.memory_space<vmem>>) target_semaphore(%run_scoped3A : memref<!tpu.dma_semaphore, #tpu.memory_space<semaphore_mem>>)
      %dma_wait3A = arith.constant 0 : i32
      %dma_wait3A_78 = tpu.memref_slice %arg16[%dma_wait3A] : memref<48xi32, #tpu.memory_space<vmem>> -> memref<32xi32, #tpu.memory_space<vmem>>
      %dma_wait3A_79 = arith.constant 0 : i32
      %dma_wait3A_80 = tpu.memref_slice %arg16[%dma_wait3A_79] : memref<48xi32, #tpu.memory_space<vmem>> -> memref<32xi32, #tpu.memory_space<vmem>>
      tpu.wait_dma2 semaphore(%run_scoped3A : memref<!tpu.dma_semaphore, #tpu.memory_space<semaphore_mem>>) src(%arg7 : memref<32xi32, #tpu.memory_space<hbm>>) dst(%dma_wait3A_80 : memref<32xi32, #tpu.memory_space<vmem>>)
      tpu.yield
    }) : () -> ()
    %get3A = arith.index_cast %add3A : i32 to index
    %get3A_13 = tpu.vector_load %arg15[%get3A] {strides = array<i32>} : memref<48xi32, #tpu.memory_space<vmem>>, vector<16xi32>,
    %get3A_14 = vector.shape_cast %get3A_13 : vector<16xi32> to vector<16xi32>
    %slice3A = vector.extract_strided_slice %get3A_14 {offsets = [0], sizes = [1], strides = [1]} : vector<16xi32> to vector<1xi32>
    %squeeze3A = vector.extract %slice3A[0] : i32 from vector<1xi32>
    %multiple_of3A = tpu.assume_multiple %squeeze3A, 512 : i32
    %get3A_15 = arith.index_cast %add3A : i32 to index
    %get3A_16 = tpu.vector_load %arg16[%get3A_15] {strides = array<i32>} : memref<48xi32, #tpu.memory_space<vmem>>, vector<16xi32>,
    %get3A_17 = vector.shape_cast %get3A_16 : vector<16xi32> to vector<16xi32>
    %slice3A_18 = vector.extract_strided_slice %get3A_17 {offsets = [0], sizes = [1], strides = [1]} : vector<16xi32> to vector<1xi32>
    %squeeze3A_19 = vector.extract %slice3A_18[0] : i32 from vector<1xi32>
    %multiple_of3A_20 = tpu.assume_multiple %squeeze3A_19, 512 : i32
    %sub3A = arith.subi %multiple_of3A_20, %multiple_of3A : i32
    %jit3A = arith.constant 512 : i32
    %div3A = arith.divsi %sub3A, %jit3A : i32
    %sign3A = arith.constant 0 : i32
    %sign3A_21 = arith.cmpi sgt, %sub3A, %sign3A : i32
    %sign3A_22 = arith.extui %sign3A_21 : i1 to i32
    %sign3A_23 = arith.constant 0 : i32
    %sign3A_24 = arith.cmpi slt, %sub3A, %sign3A_23 : i32
    %sign3A_25 = arith.extui %sign3A_24 : i1 to i32
    %sign3A_26 = arith.subi %sign3A_22, %sign3A_25 : i32
    %sign3A_27 = arith.constant 0 : i32
    %sign3A_28 = arith.cmpi sgt, %jit3A, %sign3A_27 : i32
    %sign3A_29 = arith.extui %sign3A_28 : i1 to i32
    %sign3A_30 = arith.constant 0 : i32
    %sign3A_31 = arith.cmpi slt, %jit3A, %sign3A_30 : i32
    %sign3A_32 = arith.extui %sign3A_31 : i1 to i32
    %sign3A_33 = arith.subi %sign3A_29, %sign3A_32 : i32
    %ne3A = arith.cmpi ne, %sign3A_26, %sign3A_33 : i32
    %rem3A = arith.remsi %sub3A, %jit3A : i32
    %ne3A_34 = arith.constant 0 : i32
    %ne3A_35 = arith.cmpi ne, %rem3A, %ne3A_34 : i32
    %and3A = arith.andi %ne3A, %ne3A_35 : i1
    %sub3A_36 = arith.constant 1 : i32
    %sub3A_37 = arith.subi %div3A, %sub3A_36 : i32
    %select_n3A = arith.select %and3A, %sub3A_37, %div3A : i32
    %sub3A_38 = arith.subi %multiple_of3A_20, %multiple_of3A : i32
    %jit3A_39 = arith.constant 256 : i32
    %div3A_40 = arith.divsi %sub3A_38, %jit3A_39 : i32
    %sign3A_41 = arith.constant 0 : i32
    %sign3A_42 = arith.cmpi sgt, %sub3A_38, %sign3A_41 : i32
    %sign3A_43 = arith.extui %sign3A_42 : i1 to i32
    %sign3A_44 = arith.constant 0 : i32
    %sign3A_45 = arith.cmpi slt, %sub3A_38, %sign3A_44 : i32
    %sign3A_46 = arith.extui %sign3A_45 : i1 to i32
    %sign3A_47 = arith.subi %sign3A_43, %sign3A_46 : i32
    %sign3A_48 = arith.constant 0 : i32
    %sign3A_49 = arith.cmpi sgt, %jit3A_39, %sign3A_48 : i32
    %sign3A_50 = arith.extui %sign3A_49 : i1 to i32
    %sign3A_51 = arith.constant 0 : i32
    %sign3A_52 = arith.cmpi slt, %jit3A_39, %sign3A_51 : i32
    %sign3A_53 = arith.extui %sign3A_52 : i1 to i32
    %sign3A_54 = arith.subi %sign3A_50, %sign3A_53 : i32
    %ne3A_55 = arith.cmpi ne, %sign3A_47, %sign3A_54 : i32
    %rem3A_56 = arith.remsi %sub3A_38, %jit3A_39 : i32
    %ne3A_57 = arith.constant 0 : i32
    %ne3A_58 = arith.cmpi ne, %rem3A_56, %ne3A_57 : i32
    %and3A_59 = arith.andi %ne3A_55, %ne3A_58 : i1
    %sub3A_60 = arith.constant 1 : i32
    %sub3A_61 = arith.subi %div3A_40, %sub3A_60 : i32
    %select_n3A_62 = arith.select %and3A_59, %sub3A_61, %div3A_40 : i32
    %mul3A_63 = arith.constant 256 : i32
    %mul3A_64 = arith.muli %add3A, %mul3A_63 : i32
    %scan3A = arith.constant 0 : i32
    %scan3A_65 = arith.constant 0 : i32
    %scan3A_66 = arith.constant 256 : i32
    %scan3A_67 = arith.addi %scan3A_65, %scan3A_66 : i32
    %scan3A_68 = arith.constant 1 : i32
    %scan3A_69 = scf.for %scan3A_75 = %scan3A_65 to %scan3A_67 step %scan3A_68 iter_args(%scan3A_76 = %scan3A) -> (i32)  : i32 {
      %add3A_77 = arith.addi %mul3A_64, %scan3A_75 : i32
      %while3A = arith.constant 0 : i32
      %while3A_78 = arith.constant 0 : i32
      %while3A_79 = arith.subi %select_n3A, %while3A : i32
      %while3A_80 = arith.addi %while3A, %while3A_79 : i32
      %while3A_81 = arith.constant 1 : i32
      %while3A_82 = arith.divsi %while3A_79, %while3A_81 : i32
      %while3A_83 = arith.muli %while3A_82, %while3A_81 : i32
      %while3A_84 = arith.addi %while3A, %while3A_83 : i32
      %while3A_85 = arith.constant 1 : i32
      %while3A_86 = scf.for %while3A_126 = %while3A to %while3A_84 step %while3A_85 iter_args(%while3A_127 = %while3A_78) -> (i32)  : i32 {
        %mul3A_128 = arith.constant 8192 : i32
        %mul3A_129 = arith.muli %add3A_77, %mul3A_128 : i32
        %add3A_130 = arith.addi %mul3A_129, %multiple_of3A : i32
        %mul3A_131 = arith.constant 512 : i32
        %mul3A_132 = arith.muli %while3A_126, %mul3A_131 : i32
        %add3A_133 = arith.addi %add3A_130, %mul3A_132 : i32
        %multiple_of3A_134 = tpu.assume_multiple %add3A_133, 512 : i32
        %mul3A_135 = arith.constant 512 : i32
        %mul3A_136 = arith.muli %while3A_126, %mul3A_135 : i32
        "tpu.region"() ({
          %run_scoped3A = tpu.sem_alloc : memref<!tpu.dma_semaphore, #tpu.memory_space<semaphore_mem>>
          %dma_start3A = tpu.memref_slice %arg13[%mul3A_136] : memref<8208xf32, #tpu.memory_space<vmem>> -> memref<512xf32, #tpu.memory_space<vmem>>
          %dma_start3A_138 = tpu.memref_slice %arg2[%multiple_of3A_134] : memref<67108864xf32, #tpu.memory_space<hbm>> -> memref<512xf32, #tpu.memory_space<hbm>>
          %dma_start3A_139 = tpu.memref_slice %arg13[%mul3A_136] : memref<8208xf32, #tpu.memory_space<vmem>> -> memref<512xf32, #tpu.memory_space<vmem>>
          %dma_start3A_140 = tpu.memref_slice %arg2[%multiple_of3A_134] : memref<67108864xf32, #tpu.memory_space<hbm>> -> memref<512xf32, #tpu.memory_space<hbm>>
          tpu.enqueue_dma source(%dma_start3A_140 : memref<512xf32, #tpu.memory_space<hbm>>) target(%dma_start3A_139 : memref<512xf32, #tpu.memory_space<vmem>>) target_semaphore(%run_scoped3A : memref<!tpu.dma_semaphore, #tpu.memory_space<semaphore_mem>>)
          %dma_wait3A = tpu.memref_slice %arg13[%mul3A_136] : memref<8208xf32, #tpu.memory_space<vmem>> -> memref<512xf32, #tpu.memory_space<vmem>>
          %dma_wait3A_141 = tpu.memref_slice %arg2[%multiple_of3A_134] : memref<67108864xf32, #tpu.memory_space<hbm>> -> memref<512xf32, #tpu.memory_space<hbm>>
          %dma_wait3A_142 = tpu.memref_slice %arg13[%mul3A_136] : memref<8208xf32, #tpu.memory_space<vmem>> -> memref<512xf32, #tpu.memory_space<vmem>>
          %dma_wait3A_143 = tpu.memref_slice %arg2[%multiple_of3A_134] : memref<67108864xf32, #tpu.memory_space<hbm>> -> memref<512xf32, #tpu.memory_space<hbm>>
          tpu.wait_dma2 semaphore(%run_scoped3A : memref<!tpu.dma_semaphore, #tpu.memory_space<semaphore_mem>>) src(%dma_wait3A_143 : memref<512xf32, #tpu.memory_space<hbm>>) dst(%dma_wait3A_142 : memref<512xf32, #tpu.memory_space<vmem>>)
          tpu.yield
        }) : () -> ()
        %while3A_137 = arith.constant 0 : i32
        scf.yield %while3A_137 : i32
      }
      %while3A_87 = arith.constant 1 : i32
      %while3A_88 = scf.for %while3A_126 = %while3A_84 to %while3A_80 step %while3A_87 iter_args(%while3A_127 = %while3A_86) -> (i32)  : i32 {
        %mul3A_128 = arith.constant 8192 : i32
        %mul3A_129 = arith.muli %add3A_77, %mul3A_128 : i32
        %add3A_130 = arith.addi %mul3A_129, %multiple_of3A : i32
        %mul3A_131 = arith.constant 512 : i32
        %mul3A_132 = arith.muli %while3A_126, %mul3A_131 : i32
        %add3A_133 = arith.addi %add3A_130, %mul3A_132 : i32
        %multiple_of3A_134 = tpu.assume_multiple %add3A_133, 512 : i32
        %mul3A_135 = arith.constant 512 : i32
        %mul3A_136 = arith.muli %while3A_126, %mul3A_135 : i32
        "tpu.region"() ({
          %run_scoped3A = tpu.sem_alloc : memref<!tpu.dma_semaphore, #tpu.memory_space<semaphore_mem>>
          %dma_start3A = tpu.memref_slice %arg13[%mul3A_136] : memref<8208xf32, #tpu.memory_space<vmem>> -> memref<512xf32, #tpu.memory_space<vmem>>
          %dma_start3A_138 = tpu.memref_slice %arg2[%multiple_of3A_134] : memref<67108864xf32, #tpu.memory_space<hbm>> -> memref<512xf32, #tpu.memory_space<hbm>>
          %dma_start3A_139 = tpu.memref_slice %arg13[%mul3A_136] : memref<8208xf32, #tpu.memory_space<vmem>> -> memref<512xf32, #tpu.memory_space<vmem>>
          %dma_start3A_140 = tpu.memref_slice %arg2[%multiple_of3A_134] : memref<67108864xf32, #tpu.memory_space<hbm>> -> memref<512xf32, #tpu.memory_space<hbm>>
          tpu.enqueue_dma source(%dma_start3A_140 : memref<512xf32, #tpu.memory_space<hbm>>) target(%dma_start3A_139 : memref<512xf32, #tpu.memory_space<vmem>>) target_semaphore(%run_scoped3A : memref<!tpu.dma_semaphore, #tpu.memory_space<semaphore_mem>>)
          %dma_wait3A = tpu.memref_slice %arg13[%mul3A_136] : memref<8208xf32, #tpu.memory_space<vmem>> -> memref<512xf32, #tpu.memory_space<vmem>>
          %dma_wait3A_141 = tpu.memref_slice %arg2[%multiple_of3A_134] : memref<67108864xf32, #tpu.memory_space<hbm>> -> memref<512xf32, #tpu.memory_space<hbm>>
          %dma_wait3A_142 = tpu.memref_slice %arg13[%mul3A_136] : memref<8208xf32, #tpu.memory_space<vmem>> -> memref<512xf32, #tpu.memory_space<vmem>>
          %dma_wait3A_143 = tpu.memref_slice %arg2[%multiple_of3A_134] : memref<67108864xf32, #tpu.memory_space<hbm>> -> memref<512xf32, #tpu.memory_space<hbm>>
          tpu.wait_dma2 semaphore(%run_scoped3A : memref<!tpu.dma_semaphore, #tpu.memory_space<semaphore_mem>>) src(%dma_wait3A_143 : memref<512xf32, #tpu.memory_space<hbm>>) dst(%dma_wait3A_142 : memref<512xf32, #tpu.memory_space<vmem>>)
          tpu.yield
        }) : () -> ()
        %while3A_137 = arith.constant 0 : i32
        scf.yield %while3A_137 : i32
      }
      %mul3A_89 = arith.constant 16 : i32
      %mul3A_90 = arith.muli %select_n3A_62, %mul3A_89 : i32
      %while3A_91 = arith.constant 0 : i32
      %while3A_92 = arith.constant 0 : i32
      %while3A_93 = arith.subi %mul3A_90, %while3A_91 : i32
      %while3A_94 = arith.addi %while3A_91, %while3A_93 : i32
      %while3A_95 = arith.constant 1 : i32
      %while3A_96 = arith.divsi %while3A_93, %while3A_95 : i32
      %while3A_97 = arith.muli %while3A_96, %while3A_95 : i32
      %while3A_98 = arith.addi %while3A_91, %while3A_97 : i32
      %while3A_99 = arith.constant 1 : i32
      %while3A_100 = scf.for %while3A_126 = %while3A_91 to %while3A_98 step %while3A_99 iter_args(%while3A_127 = %while3A_92) -> (i32)  : i32 {
        %mul3A_128 = arith.constant 16 : i32
        %mul3A_129 = arith.muli %while3A_126, %mul3A_128 : i32
        %get3A_130 = arith.index_cast %mul3A_129 : i32 to index
        %get3A_131 = tpu.vector_load %arg13[%get3A_130] {strides = array<i32>} : memref<8208xf32, #tpu.memory_space<vmem>>, vector<16xf32>,
        %get3A_132 = vector.shape_cast %get3A_131 : vector<16xf32> to vector<16xf32>
        %swap3A_133 = arith.constant 0 : index
        %swap3A_134 = tpu.vector_load %arg19[%swap3A_133] {strides = array<i32>} : memref<32xf32, #tpu.memory_space<vmem>>, vector<16xf32>,
        %swap3A_135 = vector.shape_cast %swap3A_134 : vector<16xf32> to vector<16xf32>
        %swap3A_136 = vector.shape_cast %get3A_132 : vector<16xf32> to vector<16xf32>
        tpu.vector_store %arg19[%swap3A_133], %swap3A_136 {strides = array<i32>} : memref<32xf32, #tpu.memory_space<vmem>>, vector<16xf32>,
        %get3A_137 = arith.constant 8 : index
        %get3A_138 = tpu.vector_load %arg19[%get3A_137] {strides = array<i32>} : memref<32xf32, #tpu.memory_space<vmem>>, vector<16xf32>,
        %get3A_139 = vector.shape_cast %get3A_138 : vector<16xf32> to vector<16xf32>
        %min3A = arith.minimumf %get3A_132, %get3A_139 : vector<16xf32>
        %swap3A_140 = arith.constant 0 : index
        %swap3A_141 = tpu.vector_load %arg19[%swap3A_140] {strides = array<i32>} : memref<32xf32, #tpu.memory_space<vmem>>, vector<16xf32>,
        %swap3A_142 = vector.shape_cast %swap3A_141 : vector<16xf32> to vector<16xf32>
        %swap3A_143 = vector.shape_cast %min3A : vector<16xf32> to vector<16xf32>
        tpu.vector_store %arg19[%swap3A_140], %swap3A_143 {strides = array<i32>} : memref<32xf32, #tpu.memory_space<vmem>>, vector<16xf32>,
        %get3A_144 = arith.constant 4 : index
        %get3A_145 = tpu.vector_load %arg19[%get3A_144] {strides = array<i32>} : memref<32xf32, #tpu.memory_space<vmem>>, vector<16xf32>,
        %get3A_146 = vector.shape_cast %get3A_145 : vector<16xf32> to vector<16xf32>
        %min3A_147 = arith.minimumf %min3A, %get3A_146 : vector<16xf32>
        %swap3A_148 = arith.constant 0 : index
        %swap3A_149 = tpu.vector_load %arg19[%swap3A_148] {strides = array<i32>} : memref<32xf32, #tpu.memory_space<vmem>>, vector<16xf32>,
        %swap3A_150 = vector.shape_cast %swap3A_149 : vector<16xf32> to vector<16xf32>
        %swap3A_151 = vector.shape_cast %min3A_147 : vector<16xf32> to vector<16xf32>
        tpu.vector_store %arg19[%swap3A_148], %swap3A_151 {strides = array<i32>} : memref<32xf32, #tpu.memory_space<vmem>>, vector<16xf32>,
        %get3A_152 = arith.constant 2 : index
        %get3A_153 = tpu.vector_load %arg19[%get3A_152] {strides = array<i32>} : memref<32xf32, #tpu.memory_space<vmem>>, vector<16xf32>,
        %get3A_154 = vector.shape_cast %get3A_153 : vector<16xf32> to vector<16xf32>
        %min3A_155 = arith.minimumf %min3A_147, %get3A_154 : vector<16xf32>
        %swap3A_156 = arith.constant 0 : index
        %swap3A_157 = tpu.vector_load %arg19[%swap3A_156] {strides = array<i32>} : memref<32xf32, #tpu.memory_space<vmem>>, vector<16xf32>,
        %swap3A_158 = vector.shape_cast %swap3A_157 : vector<16xf32> to vector<16xf32>
        %swap3A_159 = vector.shape_cast %min3A_155 : vector<16xf32> to vector<16xf32>
        tpu.vector_store %arg19[%swap3A_156], %swap3A_159 {strides = array<i32>} : memref<32xf32, #tpu.memory_space<vmem>>, vector<16xf32>,
        %get3A_160 = arith.constant 1 : index
        %get3A_161 = tpu.vector_load %arg19[%get3A_160] {strides = array<i32>} : memref<32xf32, #tpu.memory_space<vmem>>, vector<16xf32>,
        %get3A_162 = vector.shape_cast %get3A_161 : vector<16xf32> to vector<16xf32>
        %min3A_163 = arith.minimumf %min3A_155, %get3A_162 : vector<16xf32>
        %slice3A_164 = vector.extract_strided_slice %min3A_163 {offsets = [0], sizes = [1], strides = [1]} : vector<16xf32> to vector<1xf32>
        %squeeze3A_165 = vector.extract %slice3A_164[0] : f32 from vector<1xf32>
        %jit3A_166 = arith.constant 16 : i32
        %div3A_167 = arith.divsi %while3A_126, %jit3A_166 : i32
        %sign3A_168 = arith.constant 0 : i32
        %sign3A_169 = arith.cmpi sgt, %while3A_126, %sign3A_168 : i32
        %sign3A_170 = arith.extui %sign3A_169 : i1 to i32
        %sign3A_171 = arith.constant 0 : i32
        %sign3A_172 = arith.cmpi slt, %while3A_126, %sign3A_171 : i32
        %sign3A_173 = arith.extui %sign3A_172 : i1 to i32
        %sign3A_174 = arith.subi %sign3A_170, %sign3A_173 : i32
        %sign3A_175 = arith.constant 0 : i32
        %sign3A_176 = arith.cmpi sgt, %jit3A_166, %sign3A_175 : i32
        %sign3A_177 = arith.extui %sign3A_176 : i1 to i32
        %sign3A_178 = arith.constant 0 : i32
        %sign3A_179 = arith.cmpi slt, %jit3A_166, %sign3A_178 : i32
        %sign3A_180 = arith.extui %sign3A_179 : i1 to i32
        %sign3A_181 = arith.subi %sign3A_177, %sign3A_180 : i32
        %ne3A_182 = arith.cmpi ne, %sign3A_174, %sign3A_181 : i32
        %rem3A_183 = arith.remsi %while3A_126, %jit3A_166 : i32
        %ne3A_184 = arith.constant 0 : i32
        %ne3A_185 = arith.cmpi ne, %rem3A_183, %ne3A_184 : i32
        %and3A_186 = arith.andi %ne3A_182, %ne3A_185 : i1
        %sub3A_187 = arith.constant 1 : i32
        %sub3A_188 = arith.subi %div3A_167, %sub3A_187 : i32
        %select_n3A_189 = arith.select %and3A_186, %sub3A_188, %div3A_167 : i32
        %mul3A_190 = arith.constant 16 : i32
        %mul3A_191 = arith.muli %select_n3A_189, %mul3A_190 : i32
        %sub3A_192 = arith.subi %while3A_126, %mul3A_191 : i32
        %get3A_193 = arith.index_cast %mul3A_191 : i32 to index
        %get3A_194 = tpu.vector_load %arg14[%get3A_193] {strides = array<i32>} : memref<528xf32, #tpu.memory_space<vmem>>, vector<16xf32>,
        %get3A_195 = vector.shape_cast %get3A_194 : vector<16xf32> to vector<16xf32>
        %eq3A_196 = vector.broadcast %sub3A_192 : i32 to vector<16xi32>
        %eq3A_197 = arith.cmpi eq, %iota3A, %eq3A_196 : vector<16xi32>
        %broadcast_in_dim3A_198 = arith.constant 0.000000e+00 : f32
        %broadcast_in_dim3A_199 = vector.broadcast %broadcast_in_dim3A_198 : f32 to vector<16xf32>
        %add3A_200 = vector.broadcast %squeeze3A_165 : f32 to vector<16xf32>
        %add3A_201 = arith.addf %broadcast_in_dim3A_199, %add3A_200 : vector<16xf32>
        %select_n3A_202 = arith.select %eq3A_197, %add3A_201, %get3A_195 : vector<16xi1>, vector<16xf32>
        %swap3A_203 = arith.index_cast %mul3A_191 : i32 to index
        %swap3A_204 = tpu.vector_load %arg14[%swap3A_203] {strides = array<i32>} : memref<528xf32, #tpu.memory_space<vmem>>, vector<16xf32>,
        %swap3A_205 = vector.shape_cast %swap3A_204 : vector<16xf32> to vector<16xf32>
        %swap3A_206 = vector.shape_cast %select_n3A_202 : vector<16xf32> to vector<16xf32>
        tpu.vector_store %arg14[%swap3A_203], %swap3A_206 {strides = array<i32>} : memref<528xf32, #tpu.memory_space<vmem>>, vector<16xf32>,
        %while3A_207 = arith.constant 0 : i32
        scf.yield %while3A_207 : i32
      }
      %while3A_101 = arith.constant 1 : i32
      %while3A_102 = scf.for %while3A_126 = %while3A_98 to %while3A_94 step %while3A_101 iter_args(%while3A_127 = %while3A_100) -> (i32)  : i32 {
        %mul3A_128 = arith.constant 16 : i32
        %mul3A_129 = arith.muli %while3A_126, %mul3A_128 : i32
        %get3A_130 = arith.index_cast %mul3A_129 : i32 to index
        %get3A_131 = tpu.vector_load %arg13[%get3A_130] {strides = array<i32>} : memref<8208xf32, #tpu.memory_space<vmem>>, vector<16xf32>,
        %get3A_132 = vector.shape_cast %get3A_131 : vector<16xf32> to vector<16xf32>
        %swap3A_133 = arith.constant 0 : index
        %swap3A_134 = tpu.vector_load %arg19[%swap3A_133] {strides = array<i32>} : memref<32xf32, #tpu.memory_space<vmem>>, vector<16xf32>,
        %swap3A_135 = vector.shape_cast %swap3A_134 : vector<16xf32> to vector<16xf32>
        %swap3A_136 = vector.shape_cast %get3A_132 : vector<16xf32> to vector<16xf32>
        tpu.vector_store %arg19[%swap3A_133], %swap3A_136 {strides = array<i32>} : memref<32xf32, #tpu.memory_space<vmem>>, vector<16xf32>,
        %get3A_137 = arith.constant 8 : index
        %get3A_138 = tpu.vector_load %arg19[%get3A_137] {strides = array<i32>} : memref<32xf32, #tpu.memory_space<vmem>>, vector<16xf32>,
        %get3A_139 = vector.shape_cast %get3A_138 : vector<16xf32> to vector<16xf32>
        %min3A = arith.minimumf %get3A_132, %get3A_139 : vector<16xf32>
        %swap3A_140 = arith.constant 0 : index
        %swap3A_141 = tpu.vector_load %arg19[%swap3A_140] {strides = array<i32>} : memref<32xf32, #tpu.memory_space<vmem>>, vector<16xf32>,
        %swap3A_142 = vector.shape_cast %swap3A_141 : vector<16xf32> to vector<16xf32>
        %swap3A_143 = vector.shape_cast %min3A : vector<16xf32> to vector<16xf32>
        tpu.vector_store %arg19[%swap3A_140], %swap3A_143 {strides = array<i32>} : memref<32xf32, #tpu.memory_space<vmem>>, vector<16xf32>,
        %get3A_144 = arith.constant 4 : index
        %get3A_145 = tpu.vector_load %arg19[%get3A_144] {strides = array<i32>} : memref<32xf32, #tpu.memory_space<vmem>>, vector<16xf32>,
        %get3A_146 = vector.shape_cast %get3A_145 : vector<16xf32> to vector<16xf32>
        %min3A_147 = arith.minimumf %min3A, %get3A_146 : vector<16xf32>
        %swap3A_148 = arith.constant 0 : index
        %swap3A_149 = tpu.vector_load %arg19[%swap3A_148] {strides = array<i32>} : memref<32xf32, #tpu.memory_space<vmem>>, vector<16xf32>,
        %swap3A_150 = vector.shape_cast %swap3A_149 : vector<16xf32> to vector<16xf32>
        %swap3A_151 = vector.shape_cast %min3A_147 : vector<16xf32> to vector<16xf32>
        tpu.vector_store %arg19[%swap3A_148], %swap3A_151 {strides = array<i32>} : memref<32xf32, #tpu.memory_space<vmem>>, vector<16xf32>,
        %get3A_152 = arith.constant 2 : index
        %get3A_153 = tpu.vector_load %arg19[%get3A_152] {strides = array<i32>} : memref<32xf32, #tpu.memory_space<vmem>>, vector<16xf32>,
        %get3A_154 = vector.shape_cast %get3A_153 : vector<16xf32> to vector<16xf32>
        %min3A_155 = arith.minimumf %min3A_147, %get3A_154 : vector<16xf32>
        %swap3A_156 = arith.constant 0 : index
        %swap3A_157 = tpu.vector_load %arg19[%swap3A_156] {strides = array<i32>} : memref<32xf32, #tpu.memory_space<vmem>>, vector<16xf32>,
        %swap3A_158 = vector.shape_cast %swap3A_157 : vector<16xf32> to vector<16xf32>
        %swap3A_159 = vector.shape_cast %min3A_155 : vector<16xf32> to vector<16xf32>
        tpu.vector_store %arg19[%swap3A_156], %swap3A_159 {strides = array<i32>} : memref<32xf32, #tpu.memory_space<vmem>>, vector<16xf32>,
        %get3A_160 = arith.constant 1 : index
        %get3A_161 = tpu.vector_load %arg19[%get3A_160] {strides = array<i32>} : memref<32xf32, #tpu.memory_space<vmem>>, vector<16xf32>,
        %get3A_162 = vector.shape_cast %get3A_161 : vector<16xf32> to vector<16xf32>
        %min3A_163 = arith.minimumf %min3A_155, %get3A_162 : vector<16xf32>
        %slice3A_164 = vector.extract_strided_slice %min3A_163 {offsets = [0], sizes = [1], strides = [1]} : vector<16xf32> to vector<1xf32>
        %squeeze3A_165 = vector.extract %slice3A_164[0] : f32 from vector<1xf32>
        %jit3A_166 = arith.constant 16 : i32
        %div3A_167 = arith.divsi %while3A_126, %jit3A_166 : i32
        %sign3A_168 = arith.constant 0 : i32
        %sign3A_169 = arith.cmpi sgt, %while3A_126, %sign3A_168 : i32
        %sign3A_170 = arith.extui %sign3A_169 : i1 to i32
        %sign3A_171 = arith.constant 0 : i32
        %sign3A_172 = arith.cmpi slt, %while3A_126, %sign3A_171 : i32
        %sign3A_173 = arith.extui %sign3A_172 : i1 to i32
        %sign3A_174 = arith.subi %sign3A_170, %sign3A_173 : i32
        %sign3A_175 = arith.constant 0 : i32
        %sign3A_176 = arith.cmpi sgt, %jit3A_166, %sign3A_175 : i32
        %sign3A_177 = arith.extui %sign3A_176 : i1 to i32
        %sign3A_178 = arith.constant 0 : i32
        %sign3A_179 = arith.cmpi slt, %jit3A_166, %sign3A_178 : i32
        %sign3A_180 = arith.extui %sign3A_179 : i1 to i32
        %sign3A_181 = arith.subi %sign3A_177, %sign3A_180 : i32
        %ne3A_182 = arith.cmpi ne, %sign3A_174, %sign3A_181 : i32
        %rem3A_183 = arith.remsi %while3A_126, %jit3A_166 : i32
        %ne3A_184 = arith.constant 0 : i32
        %ne3A_185 = arith.cmpi ne, %rem3A_183, %ne3A_184 : i32
        %and3A_186 = arith.andi %ne3A_182, %ne3A_185 : i1
        %sub3A_187 = arith.constant 1 : i32
        %sub3A_188 = arith.subi %div3A_167, %sub3A_187 : i32
        %select_n3A_189 = arith.select %and3A_186, %sub3A_188, %div3A_167 : i32
        %mul3A_190 = arith.constant 16 : i32
        %mul3A_191 = arith.muli %select_n3A_189, %mul3A_190 : i32
        %sub3A_192 = arith.subi %while3A_126, %mul3A_191 : i32
        %get3A_193 = arith.index_cast %mul3A_191 : i32 to index
        %get3A_194 = tpu.vector_load %arg14[%get3A_193] {strides = array<i32>} : memref<528xf32, #tpu.memory_space<vmem>>, vector<16xf32>,
        %get3A_195 = vector.shape_cast %get3A_194 : vector<16xf32> to vector<16xf32>
        %eq3A_196 = vector.broadcast %sub3A_192 : i32 to vector<16xi32>
        %eq3A_197 = arith.cmpi eq, %iota3A, %eq3A_196 : vector<16xi32>
        %broadcast_in_dim3A_198 = arith.constant 0.000000e+00 : f32
        %broadcast_in_dim3A_199 = vector.broadcast %broadcast_in_dim3A_198 : f32 to vector<16xf32>
        %add3A_200 = vector.broadcast %squeeze3A_165 : f32 to vector<16xf32>
        %add3A_201 = arith.addf %broadcast_in_dim3A_199, %add3A_200 : vector<16xf32>
        %select_n3A_202 = arith.select %eq3A_197, %add3A_201, %get3A_195 : vector<16xi1>, vector<16xf32>
        %swap3A_203 = arith.index_cast %mul3A_191 : i32 to index
        %swap3A_204 = tpu.vector_load %arg14[%swap3A_203] {strides = array<i32>} : memref<528xf32, #tpu.memory_space<vmem>>, vector<16xf32>,
        %swap3A_205 = vector.shape_cast %swap3A_204 : vector<16xf32> to vector<16xf32>
        %swap3A_206 = vector.shape_cast %select_n3A_202 : vector<16xf32> to vector<16xf32>
        tpu.vector_store %arg14[%swap3A_203], %swap3A_206 {strides = array<i32>} : memref<528xf32, #tpu.memory_space<vmem>>, vector<16xf32>,
        %while3A_207 = arith.constant 0 : i32
        scf.yield %while3A_207 : i32
      }
      %get3A_103 = arith.index_cast %add3A_77 : i32 to index
      %get3A_104 = tpu.vector_load %arg10[%get3A_103] {strides = array<i32>} : memref<8208xf32, #tpu.memory_space<vmem>>, vector<16xf32>,
      %get3A_105 = vector.shape_cast %get3A_104 : vector<16xf32> to vector<16xf32>
      %slice3A_106 = vector.extract_strided_slice %get3A_105 {offsets = [0], sizes = [1], strides = [1]} : vector<16xf32> to vector<1xf32>
      %squeeze3A_107 = vector.extract %slice3A_106[0] : f32 from vector<1xf32>
      %get3A_108 = arith.index_cast %add3A_77 : i32 to index
      %get3A_109 = tpu.vector_load %arg11[%get3A_108] {strides = array<i32>} : memref<8208xf32, #tpu.memory_space<vmem>>, vector<16xf32>,
      %get3A_110 = vector.shape_cast %get3A_109 : vector<16xf32> to vector<16xf32>
      %slice3A_111 = vector.extract_strided_slice %get3A_110 {offsets = [0], sizes = [1], strides = [1]} : vector<16xf32> to vector<1xf32>
      %squeeze3A_112 = vector.extract %slice3A_111[0] : f32 from vector<1xf32>
      %get3A_113 = arith.index_cast %add3A_77 : i32 to index
      %get3A_114 = tpu.vector_load %arg12[%get3A_113] {strides = array<i32>} : memref<8208xf32, #tpu.memory_space<vmem>>, vector<16xf32>,
      %get3A_115 = vector.shape_cast %get3A_114 : vector<16xf32> to vector<16xf32>
      %slice3A_116 = vector.extract_strided_slice %get3A_115 {offsets = [0], sizes = [1], strides = [1]} : vector<16xf32> to vector<1xf32>
      %squeeze3A_117 = vector.extract %slice3A_116[0] : f32 from vector<1xf32>
      %scan3A_118 = arith.constant 0 : i32
      %scan3A_119 = arith.constant 0 : i32
      %scan3A_120 = arith.constant 32 : i32
      %scan3A_121 = arith.addi %scan3A_119, %scan3A_120 : i32
      %scan3A_122 = arith.constant 1 : i32
      %scan3A_123 = scf.for %scan3A_126 = %scan3A_119 to %scan3A_121 step %scan3A_122 iter_args(%scan3A_127 = %scan3A_118) -> (i32)  : i32 {
        %broadcast_in_dim3A_128 = arith.constant 1.000000e+30 : f32
        %broadcast_in_dim3A_129 = vector.broadcast %broadcast_in_dim3A_128 : f32 to vector<16xf32>
        %broadcast_in_dim3A_130 = arith.constant 100000 : i32
        %broadcast_in_dim3A_131 = vector.broadcast %broadcast_in_dim3A_130 : i32 to vector<16xi32>
        %while3A_132 = arith.constant 0 : i32
        %while3A_133 = arith.subi %select_n3A_62, %while3A_132 : i32
        %while3A_134 = arith.addi %while3A_132, %while3A_133 : i32
        %while3A_135 = arith.constant 1 : i32
        %while3A_136 = arith.divsi %while3A_133, %while3A_135 : i32
        %while3A_137 = arith.muli %while3A_136, %while3A_135 : i32
        %while3A_138 = arith.addi %while3A_132, %while3A_137 : i32
        %while3A_139 = arith.constant 1 : i32
        %while3A_140:2 = scf.for %while3A_507 = %while3A_132 to %while3A_138 step %while3A_139 iter_args(%while3A_508 = %broadcast_in_dim3A_129, %while3A_509 = %broadcast_in_dim3A_131) -> (vector<16xf32>, vector<16xi32>)  : i32 {
          %mul3A_510 = arith.constant 16 : i32
          %mul3A_511 = arith.muli %while3A_507, %mul3A_510 : i32
          %get3A_512 = arith.index_cast %mul3A_511 : i32 to index
          %get3A_513 = tpu.vector_load %arg14[%get3A_512] {strides = array<i32>} : memref<528xf32, #tpu.memory_space<vmem>>, vector<16xf32>,
          %get3A_514 = vector.shape_cast %get3A_513 : vector<16xf32> to vector<16xf32>
          %mul3A_515 = arith.constant 16 : i32
          %mul3A_516 = arith.muli %while3A_507, %mul3A_515 : i32
          %add3A_517 = vector.broadcast %mul3A_516 : i32 to vector<16xi32>
          %add3A_518 = arith.addi %add3A_517, %iota3A : vector<16xi32>
          %lt3A = arith.cmpf olt, %get3A_514, %while3A_508 : vector<16xf32>
          %select_n3A_519 = arith.select %lt3A, %get3A_514, %while3A_508 : vector<16xi1>, vector<16xf32>
          %select_n3A_520 = arith.select %lt3A, %add3A_518, %while3A_509 : vector<16xi1>, vector<16xi32>
          scf.yield %select_n3A_519, %select_n3A_520 : vector<16xf32>, vector<16xi32>
        }
        %while3A_141 = arith.constant 1 : i32
        %while3A_142:2 = scf.for %while3A_507 = %while3A_138 to %while3A_134 step %while3A_141 iter_args(%while3A_508 = %while3A_140#0, %while3A_509 = %while3A_140#1) -> (vector<16xf32>, vector<16xi32>)  : i32 {
          %mul3A_510 = arith.constant 16 : i32
          %mul3A_511 = arith.muli %while3A_507, %mul3A_510 : i32
          %get3A_512 = arith.index_cast %mul3A_511 : i32 to index
          %get3A_513 = tpu.vector_load %arg14[%get3A_512] {strides = array<i32>} : memref<528xf32, #tpu.memory_space<vmem>>, vector<16xf32>,
          %get3A_514 = vector.shape_cast %get3A_513 : vector<16xf32> to vector<16xf32>
          %mul3A_515 = arith.constant 16 : i32
          %mul3A_516 = arith.muli %while3A_507, %mul3A_515 : i32
          %add3A_517 = vector.broadcast %mul3A_516 : i32 to vector<16xi32>
          %add3A_518 = arith.addi %add3A_517, %iota3A : vector<16xi32>
          %lt3A = arith.cmpf olt, %get3A_514, %while3A_508 : vector<16xf32>
          %select_n3A_519 = arith.select %lt3A, %get3A_514, %while3A_508 : vector<16xi1>, vector<16xf32>
          %select_n3A_520 = arith.select %lt3A, %add3A_518, %while3A_509 : vector<16xi1>, vector<16xi32>
          scf.yield %select_n3A_519, %select_n3A_520 : vector<16xf32>, vector<16xi32>
        }
        %swap3A_143 = arith.constant 0 : index
        %swap3A_144 = tpu.vector_load %arg19[%swap3A_143] {strides = array<i32>} : memref<32xf32, #tpu.memory_space<vmem>>, vector<16xf32>,
        %swap3A_145 = vector.shape_cast %swap3A_144 : vector<16xf32> to vector<16xf32>
        %swap3A_146 = vector.shape_cast %while3A_142#0 : vector<16xf32> to vector<16xf32>
        tpu.vector_store %arg19[%swap3A_143], %swap3A_146 {strides = array<i32>} : memref<32xf32, #tpu.memory_space<vmem>>, vector<16xf32>,
        %get3A_147 = arith.constant 8 : index
        %get3A_148 = tpu.vector_load %arg19[%get3A_147] {strides = array<i32>} : memref<32xf32, #tpu.memory_space<vmem>>, vector<16xf32>,
        %get3A_149 = vector.shape_cast %get3A_148 : vector<16xf32> to vector<16xf32>
        %min3A = arith.minimumf %while3A_142#0, %get3A_149 : vector<16xf32>
        %swap3A_150 = arith.constant 0 : index
        %swap3A_151 = tpu.vector_load %arg19[%swap3A_150] {strides = array<i32>} : memref<32xf32, #tpu.memory_space<vmem>>, vector<16xf32>,
        %swap3A_152 = vector.shape_cast %swap3A_151 : vector<16xf32> to vector<16xf32>
        %swap3A_153 = vector.shape_cast %min3A : vector<16xf32> to vector<16xf32>
        tpu.vector_store %arg19[%swap3A_150], %swap3A_153 {strides = array<i32>} : memref<32xf32, #tpu.memory_space<vmem>>, vector<16xf32>,
        %get3A_154 = arith.constant 4 : index
        %get3A_155 = tpu.vector_load %arg19[%get3A_154] {strides = array<i32>} : memref<32xf32, #tpu.memory_space<vmem>>, vector<16xf32>,
        %get3A_156 = vector.shape_cast %get3A_155 : vector<16xf32> to vector<16xf32>
        %min3A_157 = arith.minimumf %min3A, %get3A_156 : vector<16xf32>
        %swap3A_158 = arith.constant 0 : index
        %swap3A_159 = tpu.vector_load %arg19[%swap3A_158] {strides = array<i32>} : memref<32xf32, #tpu.memory_space<vmem>>, vector<16xf32>,
        %swap3A_160 = vector.shape_cast %swap3A_159 : vector<16xf32> to vector<16xf32>
        %swap3A_161 = vector.shape_cast %min3A_157 : vector<16xf32> to vector<16xf32>
        tpu.vector_store %arg19[%swap3A_158], %swap3A_161 {strides = array<i32>} : memref<32xf32, #tpu.memory_space<vmem>>, vector<16xf32>,
        %get3A_162 = arith.constant 2 : index
        %get3A_163 = tpu.vector_load %arg19[%get3A_162] {strides = array<i32>} : memref<32xf32, #tpu.memory_space<vmem>>, vector<16xf32>,
        %get3A_164 = vector.shape_cast %get3A_163 : vector<16xf32> to vector<16xf32>
        %min3A_165 = arith.minimumf %min3A_157, %get3A_164 : vector<16xf32>
        %swap3A_166 = arith.constant 0 : index
        %swap3A_167 = tpu.vector_load %arg19[%swap3A_166] {strides = array<i32>} : memref<32xf32, #tpu.memory_space<vmem>>, vector<16xf32>,
        %swap3A_168 = vector.shape_cast %swap3A_167 : vector<16xf32> to vector<16xf32>
        %swap3A_169 = vector.shape_cast %min3A_165 : vector<16xf32> to vector<16xf32>
        tpu.vector_store %arg19[%swap3A_166], %swap3A_169 {strides = array<i32>} : memref<32xf32, #tpu.memory_space<vmem>>, vector<16xf32>,
        %get3A_170 = arith.constant 1 : index
        %get3A_171 = tpu.vector_load %arg19[%get3A_170] {strides = array<i32>} : memref<32xf32, #tpu.memory_space<vmem>>, vector<16xf32>,
        %get3A_172 = vector.shape_cast %get3A_171 : vector<16xf32> to vector<16xf32>
        %min3A_173 = arith.minimumf %min3A_165, %get3A_172 : vector<16xf32>
        %slice3A_174 = vector.extract_strided_slice %min3A_173 {offsets = [0], sizes = [1], strides = [1]} : vector<16xf32> to vector<1xf32>
        %squeeze3A_175 = vector.extract %slice3A_174[0] : f32 from vector<1xf32>
        %broadcast_in_dim3A_176 = arith.constant 0.000000e+00 : f32
        %broadcast_in_dim3A_177 = vector.broadcast %broadcast_in_dim3A_176 : f32 to vector<16xf32>
        %add3A_178 = vector.broadcast %squeeze3A_175 : f32 to vector<16xf32>
        %add3A_179 = arith.addf %broadcast_in_dim3A_177, %add3A_178 : vector<16xf32>
        %eq3A_180 = arith.cmpf oeq, %while3A_142#0, %add3A_179 : vector<16xf32>
        %jit3A_181 = arith.constant 100000 : i32
        %broadcast_in_dim3A_182 = vector.broadcast %jit3A_181 : i32 to vector<16xi32>
        %select_n3A_183 = arith.select %eq3A_180, %while3A_142#1, %broadcast_in_dim3A_182 : vector<16xi1>, vector<16xi32>
        %swap3A_184 = arith.constant 0 : index
        %swap3A_185 = tpu.vector_load %arg20[%swap3A_184] {strides = array<i32>} : memref<32xi32, #tpu.memory_space<vmem>>, vector<16xi32>,
        %swap3A_186 = vector.shape_cast %swap3A_185 : vector<16xi32> to vector<16xi32>
        %swap3A_187 = vector.shape_cast %select_n3A_183 : vector<16xi32> to vector<16xi32>
        tpu.vector_store %arg20[%swap3A_184], %swap3A_187 {strides = array<i32>} : memref<32xi32, #tpu.memory_space<vmem>>, vector<16xi32>,
        %get3A_188 = arith.constant 8 : index
        %get3A_189 = tpu.vector_load %arg20[%get3A_188] {strides = array<i32>} : memref<32xi32, #tpu.memory_space<vmem>>, vector<16xi32>,
        %get3A_190 = vector.shape_cast %get3A_189 : vector<16xi32> to vector<16xi32>
        %min3A_191 = arith.minsi %select_n3A_183, %get3A_190 : vector<16xi32>
        %swap3A_192 = arith.constant 0 : index
        %swap3A_193 = tpu.vector_load %arg20[%swap3A_192] {strides = array<i32>} : memref<32xi32, #tpu.memory_space<vmem>>, vector<16xi32>,
        %swap3A_194 = vector.shape_cast %swap3A_193 : vector<16xi32> to vector<16xi32>
        %swap3A_195 = vector.shape_cast %min3A_191 : vector<16xi32> to vector<16xi32>
        tpu.vector_store %arg20[%swap3A_192], %swap3A_195 {strides = array<i32>} : memref<32xi32, #tpu.memory_space<vmem>>, vector<16xi32>,
        %get3A_196 = arith.constant 4 : index
        %get3A_197 = tpu.vector_load %arg20[%get3A_196] {strides = array<i32>} : memref<32xi32, #tpu.memory_space<vmem>>, vector<16xi32>,
        %get3A_198 = vector.shape_cast %get3A_197 : vector<16xi32> to vector<16xi32>
        %min3A_199 = arith.minsi %min3A_191, %get3A_198 : vector<16xi32>
        %swap3A_200 = arith.constant 0 : index
        %swap3A_201 = tpu.vector_load %arg20[%swap3A_200] {strides = array<i32>} : memref<32xi32, #tpu.memory_space<vmem>>, vector<16xi32>,
        %swap3A_202 = vector.shape_cast %swap3A_201 : vector<16xi32> to vector<16xi32>
        %swap3A_203 = vector.shape_cast %min3A_199 : vector<16xi32> to vector<16xi32>
        tpu.vector_store %arg20[%swap3A_200], %swap3A_203 {strides = array<i32>} : memref<32xi32, #tpu.memory_space<vmem>>, vector<16xi32>,
        %get3A_204 = arith.constant 2 : index
        %get3A_205 = tpu.vector_load %arg20[%get3A_204] {strides = array<i32>} : memref<32xi32, #tpu.memory_space<vmem>>, vector<16xi32>,
        %get3A_206 = vector.shape_cast %get3A_205 : vector<16xi32> to vector<16xi32>
        %min3A_207 = arith.minsi %min3A_199, %get3A_206 : vector<16xi32>
        %swap3A_208 = arith.constant 0 : index
        %swap3A_209 = tpu.vector_load %arg20[%swap3A_208] {strides = array<i32>} : memref<32xi32, #tpu.memory_space<vmem>>, vector<16xi32>,
        %swap3A_210 = vector.shape_cast %swap3A_209 : vector<16xi32> to vector<16xi32>
        %swap3A_211 = vector.shape_cast %min3A_207 : vector<16xi32> to vector<16xi32>
        tpu.vector_store %arg20[%swap3A_208], %swap3A_211 {strides = array<i32>} : memref<32xi32, #tpu.memory_space<vmem>>, vector<16xi32>,
        %get3A_212 = arith.constant 1 : index
        %get3A_213 = tpu.vector_load %arg20[%get3A_212] {strides = array<i32>} : memref<32xi32, #tpu.memory_space<vmem>>, vector<16xi32>,
        %get3A_214 = vector.shape_cast %get3A_213 : vector<16xi32> to vector<16xi32>
        %min3A_215 = arith.minsi %min3A_207, %get3A_214 : vector<16xi32>
        %slice3A_216 = vector.extract_strided_slice %min3A_215 {offsets = [0], sizes = [1], strides = [1]} : vector<16xi32> to vector<1xi32>
        %squeeze3A_217 = vector.extract %slice3A_216[0] : i32 from vector<1xi32>
        %mul3A_218 = arith.constant 16 : i32
        %mul3A_219 = arith.muli %squeeze3A_217, %mul3A_218 : i32
        %get3A_220 = arith.index_cast %mul3A_219 : i32 to index
        %get3A_221 = tpu.vector_load %arg13[%get3A_220] {strides = array<i32>} : memref<8208xf32, #tpu.memory_space<vmem>>, vector<16xf32>,
        %get3A_222 = vector.shape_cast %get3A_221 : vector<16xf32> to vector<16xf32>
        %broadcast_in_dim3A_223 = arith.constant 0.000000e+00 : f32
        %broadcast_in_dim3A_224 = vector.broadcast %broadcast_in_dim3A_223 : f32 to vector<16xf32>
        %add3A_225 = vector.broadcast %squeeze3A_175 : f32 to vector<16xf32>
        %add3A_226 = arith.addf %broadcast_in_dim3A_224, %add3A_225 : vector<16xf32>
        %eq3A_227 = arith.cmpf oeq, %get3A_222, %add3A_226 : vector<16xf32>
        %jit3A_228 = arith.constant 15 : i32
        %broadcast_in_dim3A_229 = vector.broadcast %jit3A_228 : i32 to vector<16xi32>
        %select_n3A_230 = arith.select %eq3A_227, %iota3A, %broadcast_in_dim3A_229 : vector<16xi1>, vector<16xi32>
        %swap3A_231 = arith.constant 0 : index
        %swap3A_232 = tpu.vector_load %arg20[%swap3A_231] {strides = array<i32>} : memref<32xi32, #tpu.memory_space<vmem>>, vector<16xi32>,
        %swap3A_233 = vector.shape_cast %swap3A_232 : vector<16xi32> to vector<16xi32>
        %swap3A_234 = vector.shape_cast %select_n3A_230 : vector<16xi32> to vector<16xi32>
        tpu.vector_store %arg20[%swap3A_231], %swap3A_234 {strides = array<i32>} : memref<32xi32, #tpu.memory_space<vmem>>, vector<16xi32>,
        %get3A_235 = arith.constant 8 : index
        %get3A_236 = tpu.vector_load %arg20[%get3A_235] {strides = array<i32>} : memref<32xi32, #tpu.memory_space<vmem>>, vector<16xi32>,
        %get3A_237 = vector.shape_cast %get3A_236 : vector<16xi32> to vector<16xi32>
        %min3A_238 = arith.minsi %select_n3A_230, %get3A_237 : vector<16xi32>
        %swap3A_239 = arith.constant 0 : index
        %swap3A_240 = tpu.vector_load %arg20[%swap3A_239] {strides = array<i32>} : memref<32xi32, #tpu.memory_space<vmem>>, vector<16xi32>,
        %swap3A_241 = vector.shape_cast %swap3A_240 : vector<16xi32> to vector<16xi32>
        %swap3A_242 = vector.shape_cast %min3A_238 : vector<16xi32> to vector<16xi32>
        tpu.vector_store %arg20[%swap3A_239], %swap3A_242 {strides = array<i32>} : memref<32xi32, #tpu.memory_space<vmem>>, vector<16xi32>,
        %get3A_243 = arith.constant 4 : index
        %get3A_244 = tpu.vector_load %arg20[%get3A_243] {strides = array<i32>} : memref<32xi32, #tpu.memory_space<vmem>>, vector<16xi32>,
        %get3A_245 = vector.shape_cast %get3A_244 : vector<16xi32> to vector<16xi32>
        %min3A_246 = arith.minsi %min3A_238, %get3A_245 : vector<16xi32>
        %swap3A_247 = arith.constant 0 : index
        %swap3A_248 = tpu.vector_load %arg20[%swap3A_247] {strides = array<i32>} : memref<32xi32, #tpu.memory_space<vmem>>, vector<16xi32>,
        %swap3A_249 = vector.shape_cast %swap3A_248 : vector<16xi32> to vector<16xi32>
        %swap3A_250 = vector.shape_cast %min3A_246 : vector<16xi32> to vector<16xi32>
        tpu.vector_store %arg20[%swap3A_247], %swap3A_250 {strides = array<i32>} : memref<32xi32, #tpu.memory_space<vmem>>, vector<16xi32>,
        %get3A_251 = arith.constant 2 : index
        %get3A_252 = tpu.vector_load %arg20[%get3A_251] {strides = array<i32>} : memref<32xi32, #tpu.memory_space<vmem>>, vector<16xi32>,
        %get3A_253 = vector.shape_cast %get3A_252 : vector<16xi32> to vector<16xi32>
        %min3A_254 = arith.minsi %min3A_246, %get3A_253 : vector<16xi32>
        %swap3A_255 = arith.constant 0 : index
        %swap3A_256 = tpu.vector_load %arg20[%swap3A_255] {strides = array<i32>} : memref<32xi32, #tpu.memory_space<vmem>>, vector<16xi32>,
        %swap3A_257 = vector.shape_cast %swap3A_256 : vector<16xi32> to vector<16xi32>
        %swap3A_258 = vector.shape_cast %min3A_254 : vector<16xi32> to vector<16xi32>
        tpu.vector_store %arg20[%swap3A_255], %swap3A_258 {strides = array<i32>} : memref<32xi32, #tpu.memory_space<vmem>>, vector<16xi32>,
        %get3A_259 = arith.constant 1 : index
        %get3A_260 = tpu.vector_load %arg20[%get3A_259] {strides = array<i32>} : memref<32xi32, #tpu.memory_space<vmem>>, vector<16xi32>,
        %get3A_261 = vector.shape_cast %get3A_260 : vector<16xi32> to vector<16xi32>
        %min3A_262 = arith.minsi %min3A_254, %get3A_261 : vector<16xi32>
        %slice3A_263 = vector.extract_strided_slice %min3A_262 {offsets = [0], sizes = [1], strides = [1]} : vector<16xi32> to vector<1xi32>
        %squeeze3A_264 = vector.extract %slice3A_263[0] : i32 from vector<1xi32>
        %mul3A_265 = arith.constant 16 : i32
        %mul3A_266 = arith.muli %squeeze3A_217, %mul3A_265 : i32
        %add3A_267 = arith.addi %mul3A_266, %squeeze3A_264 : i32
        %add3A_268 = arith.addi %multiple_of3A, %add3A_267 : i32
        %le3A = arith.constant 1.000000e+02 : f32
        %le3A_269 = arith.cmpf ole, %squeeze3A_175, %le3A : f32
        %get3A_270 = arith.index_cast %add3A_268 : i32 to index
        %get3A_271 = tpu.vector_load %arg10[%get3A_270] {strides = array<i32>} : memref<8208xf32, #tpu.memory_space<vmem>>, vector<16xf32>,
        %get3A_272 = vector.shape_cast %get3A_271 : vector<16xf32> to vector<16xf32>
        %slice3A_273 = vector.extract_strided_slice %get3A_272 {offsets = [0], sizes = [1], strides = [1]} : vector<16xf32> to vector<1xf32>
        %squeeze3A_274 = vector.extract %slice3A_273[0] : f32 from vector<1xf32>
        %get3A_275 = arith.index_cast %add3A_268 : i32 to index
        %get3A_276 = tpu.vector_load %arg11[%get3A_275] {strides = array<i32>} : memref<8208xf32, #tpu.memory_space<vmem>>, vector<16xf32>,
        %get3A_277 = vector.shape_cast %get3A_276 : vector<16xf32> to vector<16xf32>
        %slice3A_278 = vector.extract_strided_slice %get3A_277 {offsets = [0], sizes = [1], strides = [1]} : vector<16xf32> to vector<1xf32>
        %squeeze3A_279 = vector.extract %slice3A_278[0] : f32 from vector<1xf32>
        %get3A_280 = arith.index_cast %add3A_268 : i32 to index
        %get3A_281 = tpu.vector_load %arg12[%get3A_280] {strides = array<i32>} : memref<8208xf32, #tpu.memory_space<vmem>>, vector<16xf32>,
        %get3A_282 = vector.shape_cast %get3A_281 : vector<16xf32> to vector<16xf32>
        %slice3A_283 = vector.extract_strided_slice %get3A_282 {offsets = [0], sizes = [1], strides = [1]} : vector<16xf32> to vector<1xf32>
        %squeeze3A_284 = vector.extract %slice3A_283[0] : f32 from vector<1xf32>
        %sub3A_285 = arith.subf %squeeze3A_107, %squeeze3A_274 : f32
        %sub3A_286 = arith.subf %squeeze3A_112, %squeeze3A_279 : f32
        %sub3A_287 = arith.subf %squeeze3A_117, %squeeze3A_284 : f32
        %mul3A_288 = arith.mulf %sub3A_285, %sub3A_285 : f32
        %mul3A_289 = arith.mulf %sub3A_286, %sub3A_286 : f32
        %add3A_290 = arith.addf %mul3A_288, %mul3A_289 : f32
        %mul3A_291 = arith.mulf %sub3A_287, %sub3A_287 : f32
        %add3A_292 = arith.addf %add3A_290, %mul3A_291 : f32
        %mul3A_293 = arith.constant 32 : i32
        %mul3A_294 = arith.muli %scan3A_75, %mul3A_293 : i32
        %add3A_295 = arith.addi %mul3A_294, %scan3A_126 : i32
        %select_n3A_296 = arith.select %le3A_269, %add3A_268, %add3A_77 : i32
        %jit3A_297 = arith.constant 16 : i32
        %div3A_298 = arith.divsi %add3A_295, %jit3A_297 : i32
        %sign3A_299 = arith.constant 0 : i32
        %sign3A_300 = arith.cmpi sgt, %add3A_295, %sign3A_299 : i32
        %sign3A_301 = arith.extui %sign3A_300 : i1 to i32
        %sign3A_302 = arith.constant 0 : i32
        %sign3A_303 = arith.cmpi slt, %add3A_295, %sign3A_302 : i32
        %sign3A_304 = arith.extui %sign3A_303 : i1 to i32
        %sign3A_305 = arith.subi %sign3A_301, %sign3A_304 : i32
        %sign3A_306 = arith.constant 0 : i32
        %sign3A_307 = arith.cmpi sgt, %jit3A_297, %sign3A_306 : i32
        %sign3A_308 = arith.extui %sign3A_307 : i1 to i32
        %sign3A_309 = arith.constant 0 : i32
        %sign3A_310 = arith.cmpi slt, %jit3A_297, %sign3A_309 : i32
        %sign3A_311 = arith.extui %sign3A_310 : i1 to i32
        %sign3A_312 = arith.subi %sign3A_308, %sign3A_311 : i32
        %ne3A_313 = arith.cmpi ne, %sign3A_305, %sign3A_312 : i32
        %rem3A_314 = arith.remsi %add3A_295, %jit3A_297 : i32
        %ne3A_315 = arith.constant 0 : i32
        %ne3A_316 = arith.cmpi ne, %rem3A_314, %ne3A_315 : i32
        %and3A_317 = arith.andi %ne3A_313, %ne3A_316 : i1
        %sub3A_318 = arith.constant 1 : i32
        %sub3A_319 = arith.subi %div3A_298, %sub3A_318 : i32
        %select_n3A_320 = arith.select %and3A_317, %sub3A_319, %div3A_298 : i32
        %mul3A_321 = arith.constant 16 : i32
        %mul3A_322 = arith.muli %select_n3A_320, %mul3A_321 : i32
        %sub3A_323 = arith.subi %add3A_295, %mul3A_322 : i32
        %get3A_324 = arith.index_cast %mul3A_322 : i32 to index
        %get3A_325 = tpu.vector_load %arg17[%get3A_324] {strides = array<i32>} : memref<8208xi32, #tpu.memory_space<vmem>>, vector<16xi32>,
        %get3A_326 = vector.shape_cast %get3A_325 : vector<16xi32> to vector<16xi32>
        %eq3A_327 = vector.broadcast %sub3A_323 : i32 to vector<16xi32>
        %eq3A_328 = arith.cmpi eq, %iota3A, %eq3A_327 : vector<16xi32>
        %broadcast_in_dim3A_329 = arith.constant 0 : i32
        %broadcast_in_dim3A_330 = vector.broadcast %broadcast_in_dim3A_329 : i32 to vector<16xi32>
        %add3A_331 = vector.broadcast %select_n3A_296 : i32 to vector<16xi32>
        %add3A_332 = arith.addi %broadcast_in_dim3A_330, %add3A_331 : vector<16xi32>
        %select_n3A_333 = arith.select %eq3A_328, %add3A_332, %get3A_326 : vector<16xi1>, vector<16xi32>
        %swap3A_334 = arith.index_cast %mul3A_322 : i32 to index
        %swap3A_335 = tpu.vector_load %arg17[%swap3A_334] {strides = array<i32>} : memref<8208xi32, #tpu.memory_space<vmem>>, vector<16xi32>,
        %swap3A_336 = vector.shape_cast %swap3A_335 : vector<16xi32> to vector<16xi32>
        %swap3A_337 = vector.shape_cast %select_n3A_333 : vector<16xi32> to vector<16xi32>
        tpu.vector_store %arg17[%swap3A_334], %swap3A_337 {strides = array<i32>} : memref<8208xi32, #tpu.memory_space<vmem>>, vector<16xi32>,
        %mul3A_338 = arith.constant 32 : i32
        %mul3A_339 = arith.muli %scan3A_75, %mul3A_338 : i32
        %add3A_340 = arith.addi %mul3A_339, %scan3A_126 : i32
        %jit3A_341 = arith.constant -1.000000e+00 : f32
        %select_n3A_342 = arith.select %le3A_269, %add3A_292, %jit3A_341 : f32
        %jit3A_343 = arith.constant 16 : i32
        %div3A_344 = arith.divsi %add3A_340, %jit3A_343 : i32
        %sign3A_345 = arith.constant 0 : i32
        %sign3A_346 = arith.cmpi sgt, %add3A_340, %sign3A_345 : i32
        %sign3A_347 = arith.extui %sign3A_346 : i1 to i32
        %sign3A_348 = arith.constant 0 : i32
        %sign3A_349 = arith.cmpi slt, %add3A_340, %sign3A_348 : i32
        %sign3A_350 = arith.extui %sign3A_349 : i1 to i32
        %sign3A_351 = arith.subi %sign3A_347, %sign3A_350 : i32
        %sign3A_352 = arith.constant 0 : i32
        %sign3A_353 = arith.cmpi sgt, %jit3A_343, %sign3A_352 : i32
        %sign3A_354 = arith.extui %sign3A_353 : i1 to i32
        %sign3A_355 = arith.constant 0 : i32
        %sign3A_356 = arith.cmpi slt, %jit3A_343, %sign3A_355 : i32
        %sign3A_357 = arith.extui %sign3A_356 : i1 to i32
        %sign3A_358 = arith.subi %sign3A_354, %sign3A_357 : i32
        %ne3A_359 = arith.cmpi ne, %sign3A_351, %sign3A_358 : i32
        %rem3A_360 = arith.remsi %add3A_340, %jit3A_343 : i32
        %ne3A_361 = arith.constant 0 : i32
        %ne3A_362 = arith.cmpi ne, %rem3A_360, %ne3A_361 : i32
        %and3A_363 = arith.andi %ne3A_359, %ne3A_362 : i1
        %sub3A_364 = arith.constant 1 : i32
        %sub3A_365 = arith.subi %div3A_344, %sub3A_364 : i32
        %select_n3A_366 = arith.select %and3A_363, %sub3A_365, %div3A_344 : i32
        %mul3A_367 = arith.constant 16 : i32
        %mul3A_368 = arith.muli %select_n3A_366, %mul3A_367 : i32
        %sub3A_369 = arith.subi %add3A_340, %mul3A_368 : i32
        %get3A_370 = arith.index_cast %mul3A_368 : i32 to index
        %get3A_371 = tpu.vector_load %arg18[%get3A_370] {strides = array<i32>} : memref<8208xf32, #tpu.memory_space<vmem>>, vector<16xf32>,
        %get3A_372 = vector.shape_cast %get3A_371 : vector<16xf32> to vector<16xf32>
        %eq3A_373 = vector.broadcast %sub3A_369 : i32 to vector<16xi32>
        %eq3A_374 = arith.cmpi eq, %iota3A, %eq3A_373 : vector<16xi32>
        %broadcast_in_dim3A_375 = arith.constant 0.000000e+00 : f32
        %broadcast_in_dim3A_376 = vector.broadcast %broadcast_in_dim3A_375 : f32 to vector<16xf32>
        %add3A_377 = vector.broadcast %select_n3A_342 : f32 to vector<16xf32>
        %add3A_378 = arith.addf %broadcast_in_dim3A_376, %add3A_377 : vector<16xf32>
        %select_n3A_379 = arith.select %eq3A_374, %add3A_378, %get3A_372 : vector<16xi1>, vector<16xf32>
        %swap3A_380 = arith.index_cast %mul3A_368 : i32 to index
        %swap3A_381 = tpu.vector_load %arg18[%swap3A_380] {strides = array<i32>} : memref<8208xf32, #tpu.memory_space<vmem>>, vector<16xf32>,
        %swap3A_382 = vector.shape_cast %swap3A_381 : vector<16xf32> to vector<16xf32>
        %swap3A_383 = vector.shape_cast %select_n3A_379 : vector<16xf32> to vector<16xf32>
        tpu.vector_store %arg18[%swap3A_380], %swap3A_383 {strides = array<i32>} : memref<8208xf32, #tpu.memory_space<vmem>>, vector<16xf32>,
        %jit3A_384 = arith.constant 16 : i32
        %div3A_385 = arith.divsi %add3A_267, %jit3A_384 : i32
        %sign3A_386 = arith.constant 0 : i32
        %sign3A_387 = arith.cmpi sgt, %add3A_267, %sign3A_386 : i32
        %sign3A_388 = arith.extui %sign3A_387 : i1 to i32
        %sign3A_389 = arith.constant 0 : i32
        %sign3A_390 = arith.cmpi slt, %add3A_267, %sign3A_389 : i32
        %sign3A_391 = arith.extui %sign3A_390 : i1 to i32
        %sign3A_392 = arith.subi %sign3A_388, %sign3A_391 : i32
        %sign3A_393 = arith.constant 0 : i32
        %sign3A_394 = arith.cmpi sgt, %jit3A_384, %sign3A_393 : i32
        %sign3A_395 = arith.extui %sign3A_394 : i1 to i32
        %sign3A_396 = arith.constant 0 : i32
        %sign3A_397 = arith.cmpi slt, %jit3A_384, %sign3A_396 : i32
        %sign3A_398 = arith.extui %sign3A_397 : i1 to i32
        %sign3A_399 = arith.subi %sign3A_395, %sign3A_398 : i32
        %ne3A_400 = arith.cmpi ne, %sign3A_392, %sign3A_399 : i32
        %rem3A_401 = arith.remsi %add3A_267, %jit3A_384 : i32
        %ne3A_402 = arith.constant 0 : i32
        %ne3A_403 = arith.cmpi ne, %rem3A_401, %ne3A_402 : i32
        %and3A_404 = arith.andi %ne3A_400, %ne3A_403 : i1
        %sub3A_405 = arith.constant 1 : i32
        %sub3A_406 = arith.subi %div3A_385, %sub3A_405 : i32
        %select_n3A_407 = arith.select %and3A_404, %sub3A_406, %div3A_385 : i32
        %mul3A_408 = arith.constant 16 : i32
        %mul3A_409 = arith.muli %select_n3A_407, %mul3A_408 : i32
        %sub3A_410 = arith.subi %add3A_267, %mul3A_409 : i32
        %get3A_411 = arith.index_cast %mul3A_409 : i32 to index
        %get3A_412 = tpu.vector_load %arg13[%get3A_411] {strides = array<i32>} : memref<8208xf32, #tpu.memory_space<vmem>>, vector<16xf32>,
        %get3A_413 = vector.shape_cast %get3A_412 : vector<16xf32> to vector<16xf32>
        %eq3A_414 = vector.broadcast %sub3A_410 : i32 to vector<16xi32>
        %eq3A_415 = arith.cmpi eq, %iota3A, %eq3A_414 : vector<16xi32>
        %broadcast_in_dim3A_416 = arith.constant 0.000000e+00 : f32
        %broadcast_in_dim3A_417 = vector.broadcast %broadcast_in_dim3A_416 : f32 to vector<16xf32>
        %add3A_418 = arith.constant 1.000000e+30 : f32
        %add3A_419 = vector.broadcast %add3A_418 : f32 to vector<16xf32>
        %add3A_420 = arith.addf %broadcast_in_dim3A_417, %add3A_419 : vector<16xf32>
        %select_n3A_421 = arith.select %eq3A_415, %add3A_420, %get3A_413 : vector<16xi1>, vector<16xf32>
        %swap3A_422 = arith.index_cast %mul3A_409 : i32 to index
        %swap3A_423 = tpu.vector_load %arg13[%swap3A_422] {strides = array<i32>} : memref<8208xf32, #tpu.memory_space<vmem>>, vector<16xf32>,
        %swap3A_424 = vector.shape_cast %swap3A_423 : vector<16xf32> to vector<16xf32>
        %swap3A_425 = vector.shape_cast %select_n3A_421 : vector<16xf32> to vector<16xf32>
        tpu.vector_store %arg13[%swap3A_422], %swap3A_425 {strides = array<i32>} : memref<8208xf32, #tpu.memory_space<vmem>>, vector<16xf32>,
        %mul3A_426 = arith.constant 16 : i32
        %mul3A_427 = arith.muli %squeeze3A_217, %mul3A_426 : i32
        %get3A_428 = arith.index_cast %mul3A_427 : i32 to index
        %get3A_429 = tpu.vector_load %arg13[%get3A_428] {strides = array<i32>} : memref<8208xf32, #tpu.memory_space<vmem>>, vector<16xf32>,
        %get3A_430 = vector.shape_cast %get3A_429 : vector<16xf32> to vector<16xf32>
        %swap3A_431 = arith.constant 0 : index
        %swap3A_432 = tpu.vector_load %arg19[%swap3A_431] {strides = array<i32>} : memref<32xf32, #tpu.memory_space<vmem>>, vector<16xf32>,
        %swap3A_433 = vector.shape_cast %swap3A_432 : vector<16xf32> to vector<16xf32>
        %swap3A_434 = vector.shape_cast %get3A_430 : vector<16xf32> to vector<16xf32>
        tpu.vector_store %arg19[%swap3A_431], %swap3A_434 {strides = array<i32>} : memref<32xf32, #tpu.memory_space<vmem>>, vector<16xf32>,
        %get3A_435 = arith.constant 8 : index
        %get3A_436 = tpu.vector_load %arg19[%get3A_435] {strides = array<i32>} : memref<32xf32, #tpu.memory_space<vmem>>, vector<16xf32>,
        %get3A_437 = vector.shape_cast %get3A_436 : vector<16xf32> to vector<16xf32>
        %min3A_438 = arith.minimumf %get3A_430, %get3A_437 : vector<16xf32>
        %swap3A_439 = arith.constant 0 : index
        %swap3A_440 = tpu.vector_load %arg19[%swap3A_439] {strides = array<i32>} : memref<32xf32, #tpu.memory_space<vmem>>, vector<16xf32>,
        %swap3A_441 = vector.shape_cast %swap3A_440 : vector<16xf32> to vector<16xf32>
        %swap3A_442 = vector.shape_cast %min3A_438 : vector<16xf32> to vector<16xf32>
        tpu.vector_store %arg19[%swap3A_439], %swap3A_442 {strides = array<i32>} : memref<32xf32, #tpu.memory_space<vmem>>, vector<16xf32>,
        %get3A_443 = arith.constant 4 : index
        %get3A_444 = tpu.vector_load %arg19[%get3A_443] {strides = array<i32>} : memref<32xf32, #tpu.memory_space<vmem>>, vector<16xf32>,
        %get3A_445 = vector.shape_cast %get3A_444 : vector<16xf32> to vector<16xf32>
        %min3A_446 = arith.minimumf %min3A_438, %get3A_445 : vector<16xf32>
        %swap3A_447 = arith.constant 0 : index
        %swap3A_448 = tpu.vector_load %arg19[%swap3A_447] {strides = array<i32>} : memref<32xf32, #tpu.memory_space<vmem>>, vector<16xf32>,
        %swap3A_449 = vector.shape_cast %swap3A_448 : vector<16xf32> to vector<16xf32>
        %swap3A_450 = vector.shape_cast %min3A_446 : vector<16xf32> to vector<16xf32>
        tpu.vector_store %arg19[%swap3A_447], %swap3A_450 {strides = array<i32>} : memref<32xf32, #tpu.memory_space<vmem>>, vector<16xf32>,
        %get3A_451 = arith.constant 2 : index
        %get3A_452 = tpu.vector_load %arg19[%get3A_451] {strides = array<i32>} : memref<32xf32, #tpu.memory_space<vmem>>, vector<16xf32>,
        %get3A_453 = vector.shape_cast %get3A_452 : vector<16xf32> to vector<16xf32>
        %min3A_454 = arith.minimumf %min3A_446, %get3A_453 : vector<16xf32>
        %swap3A_455 = arith.constant 0 : index
        %swap3A_456 = tpu.vector_load %arg19[%swap3A_455] {strides = array<i32>} : memref<32xf32, #tpu.memory_space<vmem>>, vector<16xf32>,
        %swap3A_457 = vector.shape_cast %swap3A_456 : vector<16xf32> to vector<16xf32>
        %swap3A_458 = vector.shape_cast %min3A_454 : vector<16xf32> to vector<16xf32>
        tpu.vector_store %arg19[%swap3A_455], %swap3A_458 {strides = array<i32>} : memref<32xf32, #tpu.memory_space<vmem>>, vector<16xf32>,
        %get3A_459 = arith.constant 1 : index
        %get3A_460 = tpu.vector_load %arg19[%get3A_459] {strides = array<i32>} : memref<32xf32, #tpu.memory_space<vmem>>, vector<16xf32>,
        %get3A_461 = vector.shape_cast %get3A_460 : vector<16xf32> to vector<16xf32>
        %min3A_462 = arith.minimumf %min3A_454, %get3A_461 : vector<16xf32>
        %slice3A_463 = vector.extract_strided_slice %min3A_462 {offsets = [0], sizes = [1], strides = [1]} : vector<16xf32> to vector<1xf32>
        %squeeze3A_464 = vector.extract %slice3A_463[0] : f32 from vector<1xf32>
        %jit3A_465 = arith.constant 16 : i32
        %div3A_466 = arith.divsi %squeeze3A_217, %jit3A_465 : i32
        %sign3A_467 = arith.constant 0 : i32
        %sign3A_468 = arith.cmpi sgt, %squeeze3A_217, %sign3A_467 : i32
        %sign3A_469 = arith.extui %sign3A_468 : i1 to i32
        %sign3A_470 = arith.constant 0 : i32
        %sign3A_471 = arith.cmpi slt, %squeeze3A_217, %sign3A_470 : i32
        %sign3A_472 = arith.extui %sign3A_471 : i1 to i32
        %sign3A_473 = arith.subi %sign3A_469, %sign3A_472 : i32
        %sign3A_474 = arith.constant 0 : i32
        %sign3A_475 = arith.cmpi sgt, %jit3A_465, %sign3A_474 : i32
        %sign3A_476 = arith.extui %sign3A_475 : i1 to i32
        %sign3A_477 = arith.constant 0 : i32
        %sign3A_478 = arith.cmpi slt, %jit3A_465, %sign3A_477 : i32
        %sign3A_479 = arith.extui %sign3A_478 : i1 to i32
        %sign3A_480 = arith.subi %sign3A_476, %sign3A_479 : i32
        %ne3A_481 = arith.cmpi ne, %sign3A_473, %sign3A_480 : i32
        %rem3A_482 = arith.remsi %squeeze3A_217, %jit3A_465 : i32
        %ne3A_483 = arith.constant 0 : i32
        %ne3A_484 = arith.cmpi ne, %rem3A_482, %ne3A_483 : i32
        %and3A_485 = arith.andi %ne3A_481, %ne3A_484 : i1
        %sub3A_486 = arith.constant 1 : i32
        %sub3A_487 = arith.subi %div3A_466, %sub3A_486 : i32
        %select_n3A_488 = arith.select %and3A_485, %sub3A_487, %div3A_466 : i32
        %mul3A_489 = arith.constant 16 : i32
        %mul3A_490 = arith.muli %select_n3A_488, %mul3A_489 : i32
        %sub3A_491 = arith.subi %squeeze3A_217, %mul3A_490 : i32
        %get3A_492 = arith.index_cast %mul3A_490 : i32 to index
        %get3A_493 = tpu.vector_load %arg14[%get3A_492] {strides = array<i32>} : memref<528xf32, #tpu.memory_space<vmem>>, vector<16xf32>,
        %get3A_494 = vector.shape_cast %get3A_493 : vector<16xf32> to vector<16xf32>
        %eq3A_495 = vector.broadcast %sub3A_491 : i32 to vector<16xi32>
        %eq3A_496 = arith.cmpi eq, %iota3A, %eq3A_495 : vector<16xi32>
        %broadcast_in_dim3A_497 = arith.constant 0.000000e+00 : f32
        %broadcast_in_dim3A_498 = vector.broadcast %broadcast_in_dim3A_497 : f32 to vector<16xf32>
        %add3A_499 = vector.broadcast %squeeze3A_464 : f32 to vector<16xf32>
        %add3A_500 = arith.addf %broadcast_in_dim3A_498, %add3A_499 : vector<16xf32>
        %select_n3A_501 = arith.select %eq3A_496, %add3A_500, %get3A_494 : vector<16xi1>, vector<16xf32>
        %swap3A_502 = arith.index_cast %mul3A_490 : i32 to index
        %swap3A_503 = tpu.vector_load %arg14[%swap3A_502] {strides = array<i32>} : memref<528xf32, #tpu.memory_space<vmem>>, vector<16xf32>,
        %swap3A_504 = vector.shape_cast %swap3A_503 : vector<16xf32> to vector<16xf32>
        %swap3A_505 = vector.shape_cast %select_n3A_501 : vector<16xf32> to vector<16xf32>
        tpu.vector_store %arg14[%swap3A_502], %swap3A_505 {strides = array<i32>} : memref<528xf32, #tpu.memory_space<vmem>>, vector<16xf32>,
        %scan3A_506 = arith.constant 0 : i32
        scf.yield %scan3A_506 : i32
      }
      %scan3A_124 = arith.constant 32 : i32
      %scan3A_125 = arith.constant 0 : i32
      scf.yield %scan3A_125 : i32
    }
    %scan3A_70 = arith.constant 256 : i32
    %mul3A_71 = arith.constant 32 : i32
    %mul3A_72 = arith.muli %mul3A_64, %mul3A_71 : i32
    "tpu.region"() ({
      %run_scoped3A = tpu.sem_alloc : memref<!tpu.dma_semaphore, #tpu.memory_space<semaphore_mem>>
      %dma_start3A = arith.constant 0 : i32
      %dma_start3A_75 = tpu.memref_slice %arg17[%dma_start3A] : memref<8208xi32, #tpu.memory_space<vmem>> -> memref<8192xi32, #tpu.memory_space<vmem>>
      %dma_start3A_76 = tpu.memref_slice %arg8[%mul3A_72] : memref<262144xi32, #tpu.memory_space<hbm>> -> memref<8192xi32, #tpu.memory_space<hbm>>
      %dma_start3A_77 = tpu.memref_slice %arg8[%mul3A_72] : memref<262144xi32, #tpu.memory_space<hbm>> -> memref<8192xi32, #tpu.memory_space<hbm>>
      %dma_start3A_78 = arith.constant 0 : i32
      %dma_start3A_79 = tpu.memref_slice %arg17[%dma_start3A_78] : memref<8208xi32, #tpu.memory_space<vmem>> -> memref<8192xi32, #tpu.memory_space<vmem>>
      tpu.enqueue_dma source(%dma_start3A_79 : memref<8192xi32, #tpu.memory_space<vmem>>) target(%dma_start3A_77 : memref<8192xi32, #tpu.memory_space<hbm>>) target_semaphore(%run_scoped3A : memref<!tpu.dma_semaphore, #tpu.memory_space<semaphore_mem>>)
      %dma_wait3A = arith.constant 0 : i32
      %dma_wait3A_80 = tpu.memref_slice %arg17[%dma_wait3A] : memref<8208xi32, #tpu.memory_space<vmem>> -> memref<8192xi32, #tpu.memory_space<vmem>>
      %dma_wait3A_81 = tpu.memref_slice %arg8[%mul3A_72] : memref<262144xi32, #tpu.memory_space<hbm>> -> memref<8192xi32, #tpu.memory_space<hbm>>
      %dma_wait3A_82 = tpu.memref_slice %arg8[%mul3A_72] : memref<262144xi32, #tpu.memory_space<hbm>> -> memref<8192xi32, #tpu.memory_space<hbm>>
      %dma_wait3A_83 = arith.constant 0 : i32
      %dma_wait3A_84 = tpu.memref_slice %arg17[%dma_wait3A_83] : memref<8208xi32, #tpu.memory_space<vmem>> -> memref<8192xi32, #tpu.memory_space<vmem>>
      tpu.wait_dma2 semaphore(%run_scoped3A : memref<!tpu.dma_semaphore, #tpu.memory_space<semaphore_mem>>) src(%dma_wait3A_84 : memref<8192xi32, #tpu.memory_space<vmem>>) dst(%dma_wait3A_82 : memref<8192xi32, #tpu.memory_space<hbm>>)
      tpu.yield
    }) : () -> ()
    %mul3A_73 = arith.constant 32 : i32
    %mul3A_74 = arith.muli %mul3A_64, %mul3A_73 : i32
    "tpu.region"() ({
      %run_scoped3A = tpu.sem_alloc : memref<!tpu.dma_semaphore, #tpu.memory_space<semaphore_mem>>
      %dma_start3A = arith.constant 0 : i32
      %dma_start3A_75 = tpu.memref_slice %arg18[%dma_start3A] : memref<8208xf32, #tpu.memory_space<vmem>> -> memref<8192xf32, #tpu.memory_space<vmem>>
      %dma_start3A_76 = tpu.memref_slice %arg9[%mul3A_74] : memref<262144xf32, #tpu.memory_space<hbm>> -> memref<8192xf32, #tpu.memory_space<hbm>>
      %dma_start3A_77 = tpu.memref_slice %arg9[%mul3A_74] : memref<262144xf32, #tpu.memory_space<hbm>> -> memref<8192xf32, #tpu.memory_space<hbm>>
      %dma_start3A_78 = arith.constant 0 : i32
      %dma_start3A_79 = tpu.memref_slice %arg18[%dma_start3A_78] : memref<8208xf32, #tpu.memory_space<vmem>> -> memref<8192xf32, #tpu.memory_space<vmem>>
      tpu.enqueue_dma source(%dma_start3A_79 : memref<8192xf32, #tpu.memory_space<vmem>>) target(%dma_start3A_77 : memref<8192xf32, #tpu.memory_space<hbm>>) target_semaphore(%run_scoped3A : memref<!tpu.dma_semaphore, #tpu.memory_space<semaphore_mem>>)
      %dma_wait3A = arith.constant 0 : i32
      %dma_wait3A_80 = tpu.memref_slice %arg18[%dma_wait3A] : memref<8208xf32, #tpu.memory_space<vmem>> -> memref<8192xf32, #tpu.memory_space<vmem>>
      %dma_wait3A_81 = tpu.memref_slice %arg9[%mul3A_74] : memref<262144xf32, #tpu.memory_space<hbm>> -> memref<8192xf32, #tpu.memory_space<hbm>>
      %dma_wait3A_82 = tpu.memref_slice %arg9[%mul3A_74] : memref<262144xf32, #tpu.memory_space<hbm>> -> memref<8192xf32, #tpu.memory_space<hbm>>
      %dma_wait3A_83 = arith.constant 0 : i32
      %dma_wait3A_84 = tpu.memref_slice %arg18[%dma_wait3A_83] : memref<8208xf32, #tpu.memory_space<vmem>> -> memref<8192xf32, #tpu.memory_space<vmem>>
      tpu.wait_dma2 semaphore(%run_scoped3A : memref<!tpu.dma_semaphore, #tpu.memory_space<semaphore_mem>>) src(%dma_wait3A_84 : memref<8192xf32, #tpu.memory_space<vmem>>) dst(%dma_wait3A_82 : memref<8192xf32, #tpu.memory_space<hbm>>)
      tpu.yield
    }) : () -> ()
    return
  }
}

module attributes {stable_mosaic.version = 14 : i64} {
  func.func @_fill_body(%arg0: i32, %arg1: memref<32xi32, #tpu.memory_space<smem>>, %arg2: memref<32xi32, #tpu.memory_space<smem>>, %arg3: memref<256x8xf32, #tpu.memory_space<vmem>>, %arg4: memref<8x8192xf32, #tpu.memory_space<vmem>>, %arg5: memref<256x1xi32, #tpu.memory_space<vmem>>, %arg6: memref<1x8192xi32, #tpu.memory_space<vmem>>, %arg7: memref<256x8192xf32, #tpu.memory_space<vmem>>) attributes {dimension_semantics = [#tpu.dimension_semantics<arbitrary>], iteration_bounds = array<i64: 32>, scalar_prefetch = 2 : i64, scratch_operands = 0 : i64, tpu.core_type = #tpu.core_type<tc>, window_params = [{transform_indices = @transform_0, window_bounds = array<i64: 256, 8>}, {pipeline_mode = #tpu.pipeline_mode<synchronous>, transform_indices = @transform_1, window_bounds = array<i64: 8, 8192>}, {transform_indices = @transform_2, window_bounds = array<i64: 256, 1>}, {pipeline_mode = #tpu.pipeline_mode<synchronous>, transform_indices = @transform_3, window_bounds = array<i64: 1, 8192>}, {transform_indices = @transform_4, window_bounds = array<i64: 256, 8192>}]} {
    %get3A = arith.index_cast %arg0 : i32 to index
    %get3A_0 = memref.load %arg1[%get3A] : memref<32xi32, #tpu.memory_space<smem>>
    %get3A_1 = arith.index_cast %arg0 : i32 to index
    %get3A_2 = memref.load %arg2[%get3A_1] : memref<32xi32, #tpu.memory_space<smem>>
    %get3A_3 = arith.constant 0 : index
    %get3A_4 = arith.constant 0 : index
    %get3A_5 = vector.load %arg3[%get3A_3, %get3A_4] : memref<256x8xf32, #tpu.memory_space<vmem>>, vector<256x1xf32>
    %get3A_6 = arith.constant 0 : index
    %get3A_7 = arith.constant 1 : index
    %get3A_8 = vector.load %arg3[%get3A_6, %get3A_7] : memref<256x8xf32, #tpu.memory_space<vmem>>, vector<256x1xf32>
    %get3A_9 = arith.constant 0 : index
    %get3A_10 = arith.constant 2 : index
    %get3A_11 = vector.load %arg3[%get3A_9, %get3A_10] : memref<256x8xf32, #tpu.memory_space<vmem>>, vector<256x1xf32>
    %mul3A = arith.mulf %get3A_5, %get3A_5 : vector<256x1xf32>
    %mul3A_12 = arith.mulf %get3A_8, %get3A_8 : vector<256x1xf32>
    %add3A = arith.addf %mul3A, %mul3A_12 : vector<256x1xf32>
    %mul3A_13 = arith.mulf %get3A_11, %get3A_11 : vector<256x1xf32>
    %add3A_14 = arith.addf %add3A, %mul3A_13 : vector<256x1xf32>
    %get3A_15 = arith.constant 0 : index
    %get3A_16 = arith.constant 0 : index
    %get3A_17 = vector.load %arg5[%get3A_15, %get3A_16] : memref<256x1xi32, #tpu.memory_space<vmem>>, vector<256x1xi32>
    %mul3A_18 = arith.constant 256 : i32
    %mul3A_19 = arith.muli %arg0, %mul3A_18 : i32
    %iota3A = tpu.iota {dimensions = array<i32: 0>} : vector<256x1xi32>
    %add3A_20 = vector.broadcast %mul3A_19 : i32 to vector<256x1xi32>
    %add3A_21 = arith.addi %add3A_20, %iota3A : vector<256x1xi32>
    %while3A = arith.constant 0 : i32
    %while3A_22 = arith.subi %get3A_2, %get3A_0 : i32
    %while3A_23 = arith.addi %get3A_0, %while3A_22 : i32
    %while3A_24 = arith.constant 1 : i32
    %while3A_25 = arith.divsi %while3A_22, %while3A_24 : i32
    %while3A_26 = arith.muli %while3A_25, %while3A_24 : i32
    %while3A_27 = arith.addi %get3A_0, %while3A_26 : i32
    %while3A_28 = arith.constant 1 : i32
    %while3A_29 = scf.for %while3A_32 = %get3A_0 to %while3A_27 step %while3A_28 iter_args(%while3A_33 = %while3A) -> (i32)  : i32 {
      %mul3A_34 = arith.constant 512 : i32
      %mul3A_35 = arith.muli %while3A_32, %mul3A_34 : i32
      %get3A_36 = arith.constant 0 : index
      %get3A_37 = arith.index_cast %mul3A_35 : i32 to index
      %get3A_38 = vector.load %arg4[%get3A_36, %get3A_37] : memref<8x8192xf32, #tpu.memory_space<vmem>>, vector<8x512xf32>
      %slice3A = vector.extract_strided_slice %get3A_38 {offsets = [0, 0], sizes = [1, 512], strides = [1, 1]} : vector<8x512xf32> to vector<1x512xf32>
      %slice3A_39 = vector.extract_strided_slice %get3A_38 {offsets = [1, 0], sizes = [1, 512], strides = [1, 1]} : vector<8x512xf32> to vector<1x512xf32>
      %slice3A_40 = vector.extract_strided_slice %get3A_38 {offsets = [2, 0], sizes = [1, 512], strides = [1, 1]} : vector<8x512xf32> to vector<1x512xf32>
      %mul3A_41 = arith.mulf %slice3A, %slice3A : vector<1x512xf32>
      %mul3A_42 = arith.mulf %slice3A_39, %slice3A_39 : vector<1x512xf32>
      %add3A_43 = arith.addf %mul3A_41, %mul3A_42 : vector<1x512xf32>
      %mul3A_44 = arith.mulf %slice3A_40, %slice3A_40 : vector<1x512xf32>
      %add3A_45 = arith.addf %add3A_43, %mul3A_44 : vector<1x512xf32>
      %get3A_46 = arith.constant 0 : index
      %get3A_47 = arith.constant 0 : index
      %get3A_48 = vector.load %arg3[%get3A_46, %get3A_47] : memref<256x8xf32, #tpu.memory_space<vmem>>, vector<256x8xf32>
      %dot_general3A = arith.constant dense<0.000000e+00> : vector<256x512xf32>
      %dot_general3A_49 = tpu.matmul %get3A_48, %get3A_38, %dot_general3A {dimension_numbers = #tpu.dot_dimension_numbers<[1], [0], [0], [1], [0, 0, 1, 1], [], []>, transpose_lhs_hint = false} : vector<256x8xf32>, vector<8x512xf32>, vector<256x512xf32> -> vector<256x512xf32>
      %add3A_50 = vector.broadcast %add3A_14 : vector<256x1xf32> to vector<256x512xf32>
      %add3A_51 = vector.broadcast %add3A_45 : vector<1x512xf32> to vector<256x512xf32>
      %add3A_52 = arith.addf %add3A_50, %add3A_51 : vector<256x512xf32>
      %mul3A_53 = arith.constant 2.000000e+00 : f32
      %mul3A_54 = vector.broadcast %mul3A_53 : f32 to vector<256x512xf32>
      %mul3A_55 = arith.mulf %mul3A_54, %dot_general3A_49 : vector<256x512xf32>
      %sub3A = arith.subf %add3A_52, %mul3A_55 : vector<256x512xf32>
      %max3A = arith.constant 0.000000e+00 : f32
      %max3A_56 = vector.broadcast %max3A : f32 to vector<256x512xf32>
      %max3A_57 = arith.maximumf %sub3A, %max3A_56 : vector<256x512xf32>
      %mul3A_58 = arith.constant 512 : i32
      %mul3A_59 = arith.muli %while3A_32, %mul3A_58 : i32
      %iota3A_60 = tpu.iota {dimensions = array<i32: 1>} : vector<256x512xi32>
      %add3A_61 = vector.broadcast %mul3A_59 : i32 to vector<256x512xi32>
      %add3A_62 = arith.addi %add3A_61, %iota3A_60 : vector<256x512xi32>
      %get3A_63 = arith.constant 0 : index
      %get3A_64 = arith.index_cast %mul3A_35 : i32 to index
      %get3A_65 = vector.load %arg6[%get3A_63, %get3A_64] : memref<1x8192xi32, #tpu.memory_space<vmem>>, vector<1x512xi32>
      %eq3A = vector.broadcast %get3A_17 : vector<256x1xi32> to vector<256x512xi32>
      %eq3A_66 = vector.broadcast %get3A_65 : vector<1x512xi32> to vector<256x512xi32>
      %eq3A_67 = arith.cmpi eq, %eq3A, %eq3A_66 : vector<256x512xi32>
      %ne3A = vector.broadcast %add3A_21 : vector<256x1xi32> to vector<256x512xi32>
      %ne3A_68 = arith.cmpi ne, %add3A_62, %ne3A : vector<256x512xi32>
      %and3A = arith.andi %eq3A_67, %ne3A_68 : vector<256x512xi1>
      %jit3A = arith.constant 1.000000e+30 : f32
      %broadcast_in_dim3A = vector.broadcast %jit3A : f32 to vector<256x512xf32>
      %select_n3A = arith.select %and3A, %max3A_57, %broadcast_in_dim3A : vector<256x512xi1>, vector<256x512xf32>
      %swap3A = arith.constant 0 : index
      %swap3A_69 = arith.index_cast %mul3A_35 : i32 to index
      %swap3A_70 = vector.load %arg7[%swap3A, %swap3A_69] : memref<256x8192xf32, #tpu.memory_space<vmem>>, vector<256x512xf32>
      tpu.vector_store %arg7[%swap3A, %swap3A_69], %select_n3A {strides = array<i32>} : memref<256x8192xf32, #tpu.memory_space<vmem>>, vector<256x512xf32>,
      %while3A_71 = arith.constant 0 : i32
      scf.yield %while3A_71 : i32
    }
    %while3A_30 = arith.constant 1 : i32
    %while3A_31 = scf.for %while3A_32 = %while3A_27 to %while3A_23 step %while3A_30 iter_args(%while3A_33 = %while3A_29) -> (i32)  : i32 {
      %mul3A_34 = arith.constant 512 : i32
      %mul3A_35 = arith.muli %while3A_32, %mul3A_34 : i32
      %get3A_36 = arith.constant 0 : index
      %get3A_37 = arith.index_cast %mul3A_35 : i32 to index
      %get3A_38 = vector.load %arg4[%get3A_36, %get3A_37] : memref<8x8192xf32, #tpu.memory_space<vmem>>, vector<8x512xf32>
      %slice3A = vector.extract_strided_slice %get3A_38 {offsets = [0, 0], sizes = [1, 512], strides = [1, 1]} : vector<8x512xf32> to vector<1x512xf32>
      %slice3A_39 = vector.extract_strided_slice %get3A_38 {offsets = [1, 0], sizes = [1, 512], strides = [1, 1]} : vector<8x512xf32> to vector<1x512xf32>
      %slice3A_40 = vector.extract_strided_slice %get3A_38 {offsets = [2, 0], sizes = [1, 512], strides = [1, 1]} : vector<8x512xf32> to vector<1x512xf32>
      %mul3A_41 = arith.mulf %slice3A, %slice3A : vector<1x512xf32>
      %mul3A_42 = arith.mulf %slice3A_39, %slice3A_39 : vector<1x512xf32>
      %add3A_43 = arith.addf %mul3A_41, %mul3A_42 : vector<1x512xf32>
      %mul3A_44 = arith.mulf %slice3A_40, %slice3A_40 : vector<1x512xf32>
      %add3A_45 = arith.addf %add3A_43, %mul3A_44 : vector<1x512xf32>
      %get3A_46 = arith.constant 0 : index
      %get3A_47 = arith.constant 0 : index
      %get3A_48 = vector.load %arg3[%get3A_46, %get3A_47] : memref<256x8xf32, #tpu.memory_space<vmem>>, vector<256x8xf32>
      %dot_general3A = arith.constant dense<0.000000e+00> : vector<256x512xf32>
      %dot_general3A_49 = tpu.matmul %get3A_48, %get3A_38, %dot_general3A {dimension_numbers = #tpu.dot_dimension_numbers<[1], [0], [0], [1], [0, 0, 1, 1], [], []>, transpose_lhs_hint = false} : vector<256x8xf32>, vector<8x512xf32>, vector<256x512xf32> -> vector<256x512xf32>
      %add3A_50 = vector.broadcast %add3A_14 : vector<256x1xf32> to vector<256x512xf32>
      %add3A_51 = vector.broadcast %add3A_45 : vector<1x512xf32> to vector<256x512xf32>
      %add3A_52 = arith.addf %add3A_50, %add3A_51 : vector<256x512xf32>
      %mul3A_53 = arith.constant 2.000000e+00 : f32
      %mul3A_54 = vector.broadcast %mul3A_53 : f32 to vector<256x512xf32>
      %mul3A_55 = arith.mulf %mul3A_54, %dot_general3A_49 : vector<256x512xf32>
      %sub3A = arith.subf %add3A_52, %mul3A_55 : vector<256x512xf32>
      %max3A = arith.constant 0.000000e+00 : f32
      %max3A_56 = vector.broadcast %max3A : f32 to vector<256x512xf32>
      %max3A_57 = arith.maximumf %sub3A, %max3A_56 : vector<256x512xf32>
      %mul3A_58 = arith.constant 512 : i32
      %mul3A_59 = arith.muli %while3A_32, %mul3A_58 : i32
      %iota3A_60 = tpu.iota {dimensions = array<i32: 1>} : vector<256x512xi32>
      %add3A_61 = vector.broadcast %mul3A_59 : i32 to vector<256x512xi32>
      %add3A_62 = arith.addi %add3A_61, %iota3A_60 : vector<256x512xi32>
      %get3A_63 = arith.constant 0 : index
      %get3A_64 = arith.index_cast %mul3A_35 : i32 to index
      %get3A_65 = vector.load %arg6[%get3A_63, %get3A_64] : memref<1x8192xi32, #tpu.memory_space<vmem>>, vector<1x512xi32>
      %eq3A = vector.broadcast %get3A_17 : vector<256x1xi32> to vector<256x512xi32>
      %eq3A_66 = vector.broadcast %get3A_65 : vector<1x512xi32> to vector<256x512xi32>
      %eq3A_67 = arith.cmpi eq, %eq3A, %eq3A_66 : vector<256x512xi32>
      %ne3A = vector.broadcast %add3A_21 : vector<256x1xi32> to vector<256x512xi32>
      %ne3A_68 = arith.cmpi ne, %add3A_62, %ne3A : vector<256x512xi32>
      %and3A = arith.andi %eq3A_67, %ne3A_68 : vector<256x512xi1>
      %jit3A = arith.constant 1.000000e+30 : f32
      %broadcast_in_dim3A = vector.broadcast %jit3A : f32 to vector<256x512xf32>
      %select_n3A = arith.select %and3A, %max3A_57, %broadcast_in_dim3A : vector<256x512xi1>, vector<256x512xf32>
      %swap3A = arith.constant 0 : index
      %swap3A_69 = arith.index_cast %mul3A_35 : i32 to index
      %swap3A_70 = vector.load %arg7[%swap3A, %swap3A_69] : memref<256x8192xf32, #tpu.memory_space<vmem>>, vector<256x512xf32>
      tpu.vector_store %arg7[%swap3A, %swap3A_69], %select_n3A {strides = array<i32>} : memref<256x8192xf32, #tpu.memory_space<vmem>>, vector<256x512xf32>,
      %while3A_71 = arith.constant 0 : i32
      scf.yield %while3A_71 : i32
    }
    return
  }
  func.func @transform_0(%arg0: i32, %arg1: memref<32xi32, #tpu.memory_space<smem>>, %arg2: memref<32xi32, #tpu.memory_space<smem>>) -> (i32, i32) {
    %c0_i32 = arith.constant 0 : i32
    %c0_i32_0 = arith.constant 0 : i32
    return %arg0, %c0_i32 : i32, i32
  }
  func.func @transform_1(%arg0: i32, %arg1: memref<32xi32, #tpu.memory_space<smem>>, %arg2: memref<32xi32, #tpu.memory_space<smem>>) -> (i32, i32) {
    %c0_i32 = arith.constant 0 : i32
    %c0_i32_0 = arith.constant 0 : i32
    %c0_i32_1 = arith.constant 0 : i32
    return %c0_i32, %c0_i32_0 : i32, i32
  }
  func.func @transform_2(%arg0: i32, %arg1: memref<32xi32, #tpu.memory_space<smem>>, %arg2: memref<32xi32, #tpu.memory_space<smem>>) -> (i32, i32) {
    %c0_i32 = arith.constant 0 : i32
    %c0_i32_0 = arith.constant 0 : i32
    return %arg0, %c0_i32 : i32, i32
  }
  func.func @transform_3(%arg0: i32, %arg1: memref<32xi32, #tpu.memory_space<smem>>, %arg2: memref<32xi32, #tpu.memory_space<smem>>) -> (i32, i32) {
    %c0_i32 = arith.constant 0 : i32
    %c0_i32_0 = arith.constant 0 : i32
    %c0_i32_1 = arith.constant 0 : i32
    return %c0_i32, %c0_i32_0 : i32, i32
  }
  func.func @transform_4(%arg0: i32, %arg1: memref<32xi32, #tpu.memory_space<smem>>, %arg2: memref<32xi32, #tpu.memory_space<smem>>) -> (i32, i32) {
    %c0_i32 = arith.constant 0 : i32
    %c0_i32_0 = arith.constant 0 : i32
    return %arg0, %c0_i32 : i32, i32
  }
}

module attributes {stable_mosaic.version = 14 : i64} {
  func.func @_sqrt_body(%arg0: memref<8192x32xf32, #tpu.memory_space<vmem>>, %arg1: memref<8192x32xf32, #tpu.memory_space<vmem>>) attributes {dimension_semantics = [], scalar_prefetch = 0 : i64, scratch_operands = 0 : i64, tpu.core_type = #tpu.core_type<tc>} {
    %get3A = arith.constant 0 : index
    %get3A_0 = arith.constant 0 : index
    %get3A_1 = vector.load %arg0[%get3A, %get3A_0] : memref<8192x32xf32, #tpu.memory_space<vmem>>, vector<8192x32xf32>
    %gt3A = arith.constant 0.000000e+00 : f32
    %gt3A_2 = vector.broadcast %gt3A : f32 to vector<8192x32xf32>
    %gt3A_3 = arith.cmpf ogt, %get3A_1, %gt3A_2 : vector<8192x32xf32>
    %gt3A_4 = arith.constant 0.000000e+00 : f32
    %gt3A_5 = vector.broadcast %gt3A_4 : f32 to vector<8192x32xf32>
    %gt3A_6 = arith.cmpf ogt, %get3A_1, %gt3A_5 : vector<8192x32xf32>
    %jit3A = arith.constant 1.000000e+00 : f32
    %broadcast_in_dim3A = vector.broadcast %jit3A : f32 to vector<8192x32xf32>
    %select_n3A = arith.select %gt3A_6, %get3A_1, %broadcast_in_dim3A : vector<8192x32xi1>, vector<8192x32xf32>
    %sqrt3A = math.sqrt %select_n3A : vector<8192x32xf32>
    %jit3A_7 = arith.constant 0.000000e+00 : f32
    %broadcast_in_dim3A_8 = vector.broadcast %jit3A_7 : f32 to vector<8192x32xf32>
    %select_n3A_9 = arith.select %gt3A_3, %sqrt3A, %broadcast_in_dim3A_8 : vector<8192x32xi1>, vector<8192x32xf32>
    %swap3A = arith.constant 0 : index
    %swap3A_10 = arith.constant 0 : index
    %swap3A_11 = vector.load %arg1[%swap3A, %swap3A_10] : memref<8192x32xf32, #tpu.memory_space<vmem>>, vector<8192x32xf32>
    tpu.vector_store %arg1[%swap3A, %swap3A_10], %select_n3A_9 {strides = array<i32>} : memref<8192x32xf32, #tpu.memory_space<vmem>>, vector<8192x32xf32>,
    return
  }
}

</mosaic_0001>

<sc_bundles>
// kernel: kernel.5.cloned.1.call-start
scs
__scs_entry_jumppad:
0x0: {  	(pc) =	sbr.rel $0x88, $3  }
0x1: {  	(tag) =	ssettag $0x0;
	lr =	simm.s32 $0x1  }
0x2: {  	[smem:$0x3F9F] =	sst lr;
	_ =	strace $0xD0000000  }
0x3: {  	_ = 	snop  }
0x4: {  	_ = 	snop  }
0x5: {  	_ = 	snop  }
0x6: {  	_ = 	snop  }
0x7: {  	_ = 	snop  }
__scs_overlays_trampoline_lowered:
0x8: {  	[smem:$0x3FAE] =	sst s0  }
0x9: {  	[smem:$0x3FAF] =	sst s1  }
0xa: {  	[smem:$0x3FB0] =	sst s2  }
0xb: {  	[smem:$0x3FB1] =	sst s3  }
0xc: {  	[smem:$0x3FB2] =	sst s4  }
0xd: {  	[smem:$0x3FB3] =	sst s5  }
0xe: {  	[smem:$0x3FB4] =	sst s6  }
0xf: {  	[smem:$0x3FB5] =	sst s7  }
0x10: {  	[smem:$0x3FB6] =	sst s8  }
0x11: {  	[smem:$0x3FB7] =	sst s9;
	s0 =	simm.s32 @!p0 $0x0  }
0x12: {  	s1 =	sld [smem:$0x3F9D];
	s0 =	simm.s32 @p0 $0x1  }
0x13: {  	[smem:$0x3FB8] =	sst s0;
	s0 =	simm.s32 @!p1 $0x0  }
0x14: {  	s2 =	sld [smem:$0x3F9C];
	s0 =	simm.s32 @p1 $0x1  }
0x15: {  	[smem:$0x3FB9] =	sst s0;
	s0 =	simm.s32 @!p2 $0x0  }
0x16: {  	s3 =	sld [smem:$0x3FDB];
	s0 =	simm.s32 @p2 $0x1  }
0x17: {  	s4 =	simm.s32 $0x1BF5;
	[smem:$0x3FBB] =	sst s0  }
0x18: {  	s0 =	sld [smem:$0x3F9E];
	_ =	swait.ge [sflag:s4], $0x0  }
0x19: {  	s7 =	sld [smem:$0x3F9F]  }
0x1a: {  	s8 =	sadd.s32 $0xFFFFE003, lr  }
0x1b: {  	s9 =	sadd.s32 $0xFFFFFEF7, lr;
	s5 =	simm.s32 $0xFFFFFFFF;
	p2 =	slt.u32 s8, $0xFFFFF086  }
0x1c: {  	p1 =	slt.u32 s9, $0xF7A;
	s5 =	simm.s32 @!p2 $0x0  }
0x1d: {  	s5 =	simm.s32 @p1 $0x1;
	p0 =	seq.s32 s7, s2  }
0x1e: {  	s7 =	smul.u32 @!p0 $0xF7A, s2;
	p2 =	seq.s32 @!p0 s5, $0x0  }
0x1f: {  	s9 =	smul.u32 $0xF7A, s1;
	s8 =	simm.s32 @!p0 $0x1BF5;
	p2 =	por !p2, p0  }
0x20: {  	[sflag:s8] =	ssyncset.s32 @!p0 $0xFFFFF086;
	s6 =	sadd.s32 @!p0 s3, s7;
	s7 =	simm.s32 @!p0 $0x108  }
0x21: {  	s3 =	sadd.s32 s3, s9;
	s6 =	sadd.s32 @!p0 $0x88, s6;
	s7 =	simm.s32 @p2 $0x1082  }
0x22: {  	[simem:s7], [sflag:s8] =	dma.local @!p0 [hbm:s6], $0xF7A  }
0x23: {  	s9 =	sor.u32 $0xD0000000, s2;
	s6 =	simm.s32 $0x108;
	_ =	swait.ge @!p0 [sflag:s8], $0x0  }
0x24: {  	s3 =	sadd.s32 $0x88, s3;
	s6 =	simm.s32 @!p1 $0x1082;
	[sflag:s4] =	ssyncset.s32 $0xFFFFF086  }
0x25: {  	[simem:s6], [sflag:s4] =	dma.local [hbm:s3], $0xF7A  }
0x26: {  	[smem:$0x3F9F] =	sst s1;
	(tag) =	ssettag s2;
	_ =	strace s9  }
0x27: {  	s1 =	sld [smem:$0x3FAF]  }
0x28: {  	s2 =	sld [smem:$0x3FB0]  }
0x29: {  	s4 =	sld [smem:$0x3FB2]  }
0x2a: {  	p0 =	seq.s32 s5, $0x0;
	s5 =	sld [smem:$0x3FB3]  }
0x2b: {  	s6 =	sld [smem:$0x3FB4]  }
0x2c: {  	s7 =	sld [smem:$0x3FB5]  }
0x2d: {  	s3 =	simm.s32 $0x108;
	s8 =	sld [smem:$0x3FB6]  }
0x2e: {  	s3 =	simm.s32 @!p0 $0x1082;
	s9 =	sld [smem:$0x3FB7]  }
0x2f: {  	lr =	sadd.s32 s0, s3;
	s0 =	sld [smem:$0x3FAE]  }
0x30: {  	s3 =	sld [smem:$0x3FB1]  }
0x31: {  	[smem:$0x3FBA] =	sst s10  }
0x32: {  	s10 =	sld [smem:$0x3FB8];
	_ =	sdelay $0x3  }
0x33: {  	p0 =	seq.s32 s10, $0x1;
	s10 =	sld [smem:$0x3FBA];
	_ =	sdelay $0x3  }
0x34: {  	[smem:$0x3FBA] =	sst s10  }
0x35: {  	s10 =	sld [smem:$0x3FB9];
	_ =	sdelay $0x3  }
0x36: {  	p1 =	seq.s32 s10, $0x1;
	s10 =	sld [smem:$0x3FBA];
	_ =	sdelay $0x3  }
0x37: {  	[smem:$0x3FBA] =	sst s10  }
0x38: {  	s10 =	sld [smem:$0x3FBB]  }
0x39: {  	_ = 	snop;
	(pc) =	sbr.ind lr, $3  }
0x3a: {  	_ = 	snop  }
0x3b: {  	_ = 	snop  }
0x3c: {  	p2 =	seq.s32 s10, $0x1;
	s10 =	sld [smem:$0x3FBA]  }
0x3d: {  	_ =	shalt  }
0x3e: {  	_ =	shalt  }
0x3f: {  	_ =	shalt  }
0x40: {  	_ =	shalt  }
0x41: {  	_ =	shalt  }
0x42: {  	_ =	shalt  }
0x43: {  	_ =	shalt  }
0x44: {  	_ =	shalt  }
0x45: {  	_ =	shalt  }
0x46: {  	_ =	shalt  }
0x47: {  	_ =	shalt  }
0x48: {  	_ =	shalt  }
0x49: {  	_ =	shalt  }
0x4a: {  	_ =	shalt  }
0x4b: {  	_ =	shalt  }
0x4c: {  	_ =	shalt  }
0x4d: {  	_ =	shalt  }
0x4e: {  	_ =	shalt  }
0x4f: {  	_ =	shalt  }
0x50: {  	_ =	shalt  }
0x51: {  	_ =	shalt  }
0x52: {  	_ =	shalt  }
0x53: {  	_ =	shalt  }
0x54: {  	_ =	shalt  }
0x55: {  	_ =	shalt  }
0x56: {  	_ =	shalt  }
0x57: {  	_ =	shalt  }
0x58: {  	_ =	shalt  }
0x59: {  	_ =	shalt  }
0x5a: {  	_ =	shalt  }
0x5b: {  	_ =	shalt  }
0x5c: {  	_ =	shalt  }
0x5d: {  	_ =	shalt  }
0x5e: {  	_ =	shalt  }
0x5f: {  	_ =	shalt  }
0x60: {  	_ =	shalt  }
0x61: {  	_ =	shalt  }
0x62: {  	_ =	shalt  }
0x63: {  	_ =	shalt  }
0x64: {  	_ =	shalt  }
0x65: {  	_ =	shalt  }
0x66: {  	_ =	shalt  }
0x67: {  	_ =	shalt  }
0x68: {  	_ =	shalt  }
0x69: {  	_ =	shalt  }
0x6a: {  	_ =	shalt  }
0x6b: {  	_ =	shalt  }
0x6c: {  	_ =	shalt  }
0x6d: {  	_ =	shalt  }
0x6e: {  	_ =	shalt  }
0x6f: {  	_ =	shalt  }
0x70: {  	_ =	shalt  }
0x71: {  	_ =	shalt  }
0x72: {  	_ =	shalt  }
0x73: {  	_ =	shalt  }
0x74: {  	_ =	shalt  }
0x75: {  	_ =	shalt  }
0x76: {  	_ =	shalt  }
0x77: {  	_ =	shalt  }
0x78: {  	_ =	shalt  }
0x79: {  	_ =	shalt  }
0x7a: {  	_ =	shalt  }
0x7b: {  	_ =	shalt  }
0x7c: {  	_ =	shalt  }
0x7d: {  	_ =	shalt  }
0x7e: {  	_ =	shalt  }
0x7f: {  	_ =	shalt  }
0x80: {  	_ =	shalt  }
0x81: {  	_ =	shalt  }
0x82: {  	_ =	shalt  }
0x83: {  	_ =	shalt  }
0x84: {  	_ =	shalt  }
0x85: {  	_ =	shalt  }
0x86: {  	_ =	shalt  }
0x87: {  	_ =	shalt  }
.Lfunc_end0:
.L_simem_size_0:
called_computation.1_lowered:
.L_overlay_start_0:
0x88: {  	s2 =	sld [smem:$0x3FD9]  }
0x89: {  	s3 =	sld [smem:$0x3FFE];
	_ =	sdelay $0x1  }
0x8a: {  	s1 =	srdreg.scid  }
0x8b: {  	s0 =	sand.u32 $0x1, s1  }
0x8c: {  	s14 =	sshll.u32 s0, $0xA;
	s2 =	sadd.s32 s3, s2  }
0x8d: {  	s2 =	sadd.s32 s2, s14  }
0x8e: {  	[smem:$0x3FC6] =	sst s2  }
0x8f: {  	_ = 	snop  }
0x90: {  	s2 =	sld [smem:$0x3FD0];
	_ =	sdelay $0x2  }
0x91: {  	s15 =	simm.s32 $0xA;
	s4 =	simm.s32 $0x10  }
0x92: {  	[smem:s4], [sflag:s15] =	dma.local [hbm:s2], $0x1  }
0x93: {  	_ =	swait.eq [sflag:s15], $0x1  }
0x94: {  	[sflag:s15] =	ssyncset.done $0x0  }
0x95: {  	s16 =	sld [smem:$0x10];
	[sflag:s15] =	ssyncadd.s32 $0xFFFFFFFF  }
0x96: {  	s17 =	sld [smem:$0x11];
	(tm) =	ssettm $0x1  }
0x97: {  	s18 =	sld [smem:$0x3FFB];
	_ =	sdelay $0x3  }
0x98: {  	_ =	strace s18  }
0x99: {  	s4 =	sld [smem:$0x3FFC];
	_ =	sdelay $0x3  }
0x9a: {  	_ =	strace s4  }
0x9b: {  	s4 =	sld [smem:$0x3FFD];
	_ =	sdelay $0x3  }
0x9c: {  	_ =	strace s4  }
0x9d: {  	_ =	strace $0x8FFFFFFF  }
0x9e: {  	s19 =	sld [smem:$0x3FDB];
	_ =	sdelay $0x1  }
0x9f: {  	s5 =	simm.s32 $_scs_section_size  }
0xa0: {  	s6 =	simm.s32 $_size__tile_overlayer_lowered;
	s7 =	simm.s32 $_tile_overlayer_lowered  }
0xa1: {  	s22 =	simm.s32 $0x1BFF;
	s21 =	sshll.u32 s7, $0x1;
	s4 =	sadd.s32 s5, s19  }
0xa2: {  	s8 =	simm.s32 $0x0;
	s20 =	sshll.u32 s6, $0x1;
	s6 =	sadd.s32 s21, s4  }
0xa3: {  	[timem:s8], [sflag:s22] =	dma.local [hbm:s6], s20  }
0xa4: {  	_ =	swait.ge [sflag:s22], s20  }
0xa5: {  	s5 =	ssub.s32 $0x0, s20;
	[sflag:s22] =	ssyncset.done $0x0  }
0xa6: {  	[sflag:s22] =	ssyncadd.s32 s5;
	_ =	sdelay $0x1  }
0xa7: {  	s23 =	simm.s32 $0x1B8B  }
0xa8: {  	_ =	swait.ge [sflag:s23], $0x1  }
0xa9: {  	[sflag:s23] =	ssyncset.done $0x0  }
0xaa: {  	s25 =	simm.s32 $0x1B8E;
	s24 =	sld [smem:$0x3FFE];
	[sflag:s23] =	ssyncadd.s32 $0xFFFFFFFF  }
0xab: {  	s26 =	simm.s32 $execute0_lowered;
	[smem:$0x3FD2] =	sst s25  }
0xac: {  	s6 =	sshll.u32 s26, $0x1;
	_ =	strace $0x80000049;
	[dreg:$0x1] =	wrdreg $0xFFFFFFFF  }
0xad: {  	s28 =	simm.s32 $_size_execute0_lowered;
	s4 =	sadd.s32 s4, s6;
	[dreg:$0x0] =	wrdreg $0x0  }
0xae: {  	s6 =	sshll.u32 s28, $0x1;
	[dreg:$0x2] =	wrdreg s4  }
0xaf: {  	[dreg:$0x3] =	wrdreg s6  }
0xb0: {  	[dreg:$0x4] =	wrdreg $0xC0  }
0xb1: {  	_ =	task [dreg:s8], $0x5FFFF  }
0xb2: {  	[dreg:$0x1] =	wrdreg $0xFFFFFFFF  }
0xb3: {  	[dreg:$0x0] =	wrdreg $0x60  }
0xb4: {  	[dreg:$0x2] =	wrdreg s24  }
0xb5: {  	[dreg:$0x3] =	wrdreg s16  }
0xb6: {  	[dreg:$0x4] =	wrdreg s17  }
0xb7: {  	[dreg:$0x5] =	wrdreg $0x9  }
0xb8: {  	_ =	task.clear_ibuf [dreg:s8], $0x6FFFF;
	_ =	strace $0x90000049  }
0xb9: {  	s29 =	simm.s32 $0x9;
	_ =	strace $0x8000004B  }
0xba: {  	_ =	swait.ge [sflag:s29], $0x1  }
0xbb: {  	[sflag:s29] =	ssyncadd.s32 $0xFFFFFFFF  }
0xbc: {  	_ =	strace $0x9000004B  }
0xbd: {  	_ =	sfence  }
0xbe: {  	s30 =	sld [smem:$0x0];
	_ =	sdelay $0x2  }
0xbf: {  	s31 =	sshll.u32 s1, $0xD;
	s1 =	sshrl.u32 s1, $0x2  }
0xc0: {  	s3 =	sand.u32 $0x4000, s31;
	s1 =	sadd.s32 s1, s30  }
0xc1: {  	s0 =	sor.u32 s3, s0;
	s1 =	sshll.u32 s1, $0x11  }
0xc2: {  	s0 =	sor.u32 s1, s0  }
0xc3: {  	s0 =	sadd.s32 $0x8F2B, s0  }
0xc4: {  	[sflag:s0] =	ssyncadd.remote.s32 $0x1  }
0xc5: {  	_ =	sfence.sel $0xFFFF  }
0xc6: {  	[dreg:$0x0] =	wrdreg $0xFFFFFFFF;
	(pc) =	sbr.abs _section_cstart, $3  }
0xc7: {  	[dreg:$0x1] =	wrdreg $0xFFFFFFFF  }
0xc8: {  	_ =	task.clear_ibuf [dreg:s8], $0x2FFFF;
	_ =	strace $0x9FFFFFFF  }
0xc9: {  	(tm) =	ssettm $0x7FFFFFFF  }
tec
execute0_lowered:
.L_overlay_start_1:
0x0: {  	(tag) =	ssettag $0x1  }
0x1: {  	s0 =	rddreg [dreg:$0x0]  }
0x2: {  	s2 =	rddreg [dreg:$0x1]  }
0x3: {  	s12 =	rddreg [dreg:$0x2];
	s1 =	simm.s32 $0x0;
	s6 =	srdreg.scid  }
0x4: {  	s25 =	stileid.u32;
	s15 =	simm.s32 $0x1;
	[smem:$0x7FF] =	sst s1  }
0x5: {  	s22 =	simm.s32 $0x0;
	s3 =	sadd.s32 $0x802400, s0;
	s4 =	sadd.s32 $0x1002C00, s0  }
0x6: {  	s24 =	sadd.s32 $0x1002800, s0;
	s14 =	sand.u32 $0x1, s6;
	s5 =	sadd.s32 $0x1002400, s0  }
0x7: {  	s8 =	sshll.u32 s25, $0x1;
	_ =	strace $0x8000004A;
	[dreg:$0x4] =	wrdreg s4  }
0x8: {  	s26 =	sadd.s32 $0x2200, s0;
	s0 =	sadd.s32 $0x2000, s0;
	[dreg:$0x5] =	wrdreg s24  }
0x9: {  	s30 =	sshll.u32 s25, $0x16;
	[dreg:$0x6] =	wrdreg s5;
	s10 =	ssub.s32 $0x2, s14  }
.Ltmp0:
0xa: {  	[dreg:$0x7] =	wrdreg s26;
	s8 =	sor.u32 s14, s8;
	(pc) =	sbr.rel .LBB2_1-.Ltmp0, $4  }
0xb: {  	[dreg:$0x8] =	wrdreg s0;
	s11 =	sshrl.u32 s10, $0x1;
	s13 =	sshll.u32 s8, $0xA  }
0xc: {  	s31 =	sshll.u32 s14, $0x15;
	s28 =	ssub.s32 s10, s11;
	s2 =	sadd.s32 s2, s13  }
0xd: {  	v0 =	vimm.f32 $1.000000020e+30;
	s10 =	sshll.u32 s8, $0x8;
	s29 =	sadd.s32 s12, s13;
	[dreg:$0x9] =	wrdreg s2  }
0xe: {  	v1 =	vimm.s32 $0x40000000;
	v2 =	vlaneseq.u32;
	s14 =	sor.u32 s31, s30;
	[dreg:$0xa] =	wrdreg s29;
	s13 =	smax.u32 s28, $0x1;
	v3 =	vmov s10  }
.LBB2_17:
0xf: {  	s0 =	rddreg [dreg:$0x9];
	s2 =	simm.s32 $0x8580  }
0x10: {  	[hbm4b:s0+s1] =	stream.linear.scatter [tilespmem:s2], [sflag:$0x1], $0x2000, $0x38;
	[tilespmem:$0xC780] =	vst v63  }
0x11: {  	s22 =	sadd.s32 $0x1, s22;
	_ =	swait.ge [sflag:s15], $0x2000  }
0x12: {  	s31 =	simm.s32 $0xA600;
	p0 =	sne.s32 s22, s13;
	[sflag:s15] =	ssyncset.done $0x0  }
.Ltmp1:
0x13: {  	s30 =	rddreg [dreg:$0xa];
	[sflag:s15] =	ssyncadd.s32 $0xFFFFE000;
	(pc) =	sbr.rel @!p0 .LBB2_18-.Ltmp1, $4  }
0x14: {  	[hbm4b:s30+s1] =	stream.linear.scatter [tilespmem:s31], [sflag:$0x1], $0x2000, $0x38;
	[tilespmem:$0xC780] =	vst v63  }
0x15: {  	_ =	swait.ge [sflag:s15], $0x2000  }
0x16: {  	[sflag:s15] =	ssyncset.done $0x0  }
0x17: {  	[sflag:s15] =	ssyncadd.s32 $0xFFFFE000  }
.LBB2_1:
0x18: {  	[tilespmem:$0xC690] =	vst v0  }
0x19: {  	[tilespmem:$0xC710] =	vst v1;
	s0 =	rddreg [dreg:$0x4]  }
0x1a: {  	[tilespmem:s1], [sflag:$0x1] =	stream.linear.gather [hbm4b:s0+s1], $0x2000, $0x38;
	[tilespmem:$0xC780] =	vst v63  }
0x1b: {  	_ =	swait.ge [sflag:s15], $0x2000  }
0x1c: {  	[sflag:s15] =	ssyncset.done $0x0  }
0x1d: {  	s2 =	simm.s32 $0x2080;
	s20 =	rddreg [dreg:$0x5];
	[sflag:s15] =	ssyncadd.s32 $0xFFFFE000  }
0x1e: {  	[tilespmem:s2], [sflag:$0x1] =	stream.linear.gather [hbm4b:s20+s1], $0x2000, $0x38;
	[tilespmem:$0xC780] =	vst v63  }
0x1f: {  	_ =	swait.ge [sflag:s15], $0x2000  }
0x20: {  	[sflag:s15] =	ssyncset.done $0x0  }
0x21: {  	s23 =	simm.s32 $0x4100;
	s21 =	rddreg [dreg:$0x6];
	[sflag:s15] =	ssyncadd.s32 $0xFFFFE000  }
0x22: {  	[tilespmem:s23], [sflag:$0x1] =	stream.linear.gather [hbm4b:s21+s1], $0x2000, $0x38;
	[tilespmem:$0xC780] =	vst v63  }
0x23: {  	_ =	swait.ge [sflag:s15], $0x2000  }
0x24: {  	[sflag:s15] =	ssyncset.done $0x0  }
0x25: {  	s25 =	simm.s32 $0x8480;
	s24 =	rddreg [dreg:$0x7];
	[sflag:s15] =	ssyncadd.s32 $0xFFFFE000  }
0x26: {  	[tilespmem:s25], [sflag:$0x1] =	stream.linear.gather [hbm4b:s24+s1], $0x20, $0x38;
	[tilespmem:$0xC780] =	vst v63  }
0x27: {  	_ =	swait.ge [sflag:s15], $0x20  }
0x28: {  	[sflag:s15] =	ssyncset.done $0x0  }
0x29: {  	s30 =	simm.s32 $0x8500;
	s26 =	rddreg [dreg:$0x8];
	[sflag:s15] =	ssyncadd.s32 $0xFFFFFFE0  }
0x2a: {  	[tilespmem:s30], [sflag:$0x1] =	stream.linear.gather [hbm4b:s26+s1], $0x20, $0x38;
	[tilespmem:$0xC780] =	vst v63  }
0x2b: {  	_ =	swait.ge [sflag:s15], $0x20  }
0x2c: {  	[sflag:s15] =	ssyncset.done $0x0  }
0x2d: {  	[sflag:s15] =	ssyncadd.s32 $0xFFFFFFE0  }
0x2e: {  	v4 =	vld [tilespmem:s8+$0x8480]  }
0x2f: {  	v5 =	vld [tilespmem:s8+$0x8500];
	_ =	sdelay $0x3  }
0x30: {  	(v2sf) =	vpush v4, $0x0  }
0x31: {  	(v2sf) =	vpush v5, $0x0;
	_ =	sdelay $0xd  }
.Ltmp2:
0x32: {  	s23 =	spop (v2sf);
	(pc) =	sbr.rel .LBB2_2-.Ltmp2, $4  }
0x33: {  	s31 =	spop (v2sf)  }
0x34: {  	s29 =	simm.s32 $0x0;
	s28 =	sadd.s32 s23, s14;
	s0 =	ssub.s32 s31, s23  }
0x35: {  	s24 =	sshra.s32 s0, $0x9;
	s25 =	sshra.s32 s0, $0x8;
	s26 =	sshra.s32 s0, $0x4  }
0x36: {  	v4 =	vmov s23;
	p0 =	slt.s32 s24, $0x1;
	p1 =	slt.s32 s26, $0x1;
	p2 =	slt.s32 s25, $0x1  }
.LBB2_16:
0x37: {  	s29 =	sadd.s32 $0x1, s29  }
0x38: {  	p3 =	sne.s32 s29, $0x100  }
.Ltmp3:
0x39: {  	_ = 	snop;
	(pc) =	sbr.rel @!p3 .LBB2_17-.Ltmp3, $2  }
0x3a: {  	_ =	sdelay $0x2  }
0x3b: {  	s28 =	sadd.s32 $0x2000, s28  }
.LBB2_2:
.Ltmp4:
0x3c: {  	(pc) =	sbr.rel @p0 .LBB2_6-.Ltmp4, $2  }
0x3d: {  	_ =	sdelay $0x2  }
0x3e: {  	s0 =	simm.s32 $0x6180  }
0x3f: {  	p3 =	sne.s32 s24, $0x1  }
.Ltmp5:
0x40: {  	_ = 	snop;
	(pc) =	sbr.rel @!p3 .LBB2_5-.Ltmp5, $4  }
0x41: {  	s2 =	sshrl.u32 s28, $0x3  }
0x42: {  	s2 =	sadd.s32 s3, s2  }
0x43: {  	[tilespmem:s0], [sflag:$0x1] =	stream.linear.gather [hbm4b:s2+s1], $0x200, $0x38;
	[tilespmem:$0xC780] =	vst v63  }
0x44: {  	s16 =	sadd.s32 $0x200, s28;
	s2 =	sadd.s32 $0xFFFFFFFF, s24;
	_ =	swait.ge [sflag:s15], $0x200  }
.LBB2_4:
0x45: {  	s17 =	sshrl.u32 s16, $0x3  }
0x46: {  	[sflag:s15] =	ssyncset.done $0x0;
	s0 =	sadd.s32 $0x200, s0;
	p3 =	sne.s32 s2, $0x1  }
.Ltmp6:
0x47: {  	s17 =	sadd.s32 s3, s17;
	[sflag:s15] =	ssyncadd.s32 $0xFFFFFE00;
	(pc) =	sbr.rel @p3 .LBB2_4-.Ltmp6, $3  }
0x48: {  	[tilespmem:s0], [sflag:$0x1] =	stream.linear.gather [hbm4b:s17+s1], $0x200, $0x38;
	[tilespmem:$0xC780] =	vst v63  }
0x49: {  	s2 =	sadd.s32 $0xFFFFFFFF, s2;
	_ =	sdelay $0x1  }
0x4a: {  	s16 =	sadd.s32 $0x200, s16;
	_ =	swait.ge [sflag:s15], $0x200  }
.LBB2_5:
0x4b: {  	[sflag:s15] =	ssyncset.done $0x0  }
0x4c: {  	[sflag:s15] =	ssyncadd.s32 $0xFFFFFE00  }
.LBB2_6:
.Ltmp7:
0x4d: {  	(pc) =	sbr.rel @p1 .LBB2_10-.Ltmp7, $1  }
0x4e: {  	_ =	sdelay $0x3  }
0x4f: {  	s0 =	simm.s32 $0x6180  }
0x50: {  	v5 =	vld [tilespmem:s0+$0x0];
	_ =	sdelay $0x4  }
0x51: {  	[tilespmem:$0xC680] =	vst v5  }
0x52: {  	v6 =	vld [tilespmem:$0xC688];
	_ =	sdelay $0x4  }
0x53: {  	v5 =	vmin.f32 v5, v6  }
0x54: {  	[tilespmem:$0xC680] =	vst v5  }
0x55: {  	v6 =	vld [tilespmem:$0xC684];
	_ =	sdelay $0x4  }
0x56: {  	v5 =	vmin.f32 v5, v6  }
0x57: {  	[tilespmem:$0xC680] =	vst v5  }
0x58: {  	v6 =	vld [tilespmem:$0xC682];
	_ =	sdelay $0x4  }
0x59: {  	v5 =	vmin.f32 v5, v6  }
0x5a: {  	[tilespmem:$0xC680] =	vst v5  }
0x5b: {  	v6 =	vld [tilespmem:$0xC681];
	_ =	sdelay $0x2  }
0x5c: {  	s2 =	simm.s32 $0x0  }
0x5d: {  	s16 =	sand.u32 $0x7FFFFFF0, s2  }
0x5e: {  	p3 =	sne.s32 s26, $0x1;
	v7 =	vld [tilespmem:s16+$0x8200];
	v5 =	vmin.f32 v5, v6  }
.Ltmp8:
0x5f: {  	v5 =	vadd.f32 $0.0e+00, v5;
	(pc) =	sbr.rel @!p3 .LBB2_9-.Ltmp8, $4  }
0x60: {  	s2 =	sand.u32 $0xF, s2  }
0x61: {  	v6 =	vmov s2;
	v5 =	vbroadcast v5, $0x0  }
0x62: {  	vm0 =	veq.s32 v6, v2  }
0x63: {  	s2 =	simm.s32 $0x1;
	v5 =	vsel vm0, v5, v7  }
.LBB2_8:
0x64: {  	[tilespmem:s16+$0x8200] =	vst v5;
	s0 =	sadd.s32 $0x10, s0;
	s17 =	smov.u32 s2;
	s2 =	sadd.s32 $0x1, s2  }
0x65: {  	v5 =	vld [tilespmem:s0+$0x0];
	p3 =	sne.s32 s26, s2;
	_ =	sdelay $0x4  }
0x66: {  	[tilespmem:$0xC680] =	vst v5  }
0x67: {  	v6 =	vld [tilespmem:$0xC688];
	_ =	sdelay $0x4  }
0x68: {  	v5 =	vmin.f32 v5, v6  }
0x69: {  	[tilespmem:$0xC680] =	vst v5  }
0x6a: {  	v6 =	vld [tilespmem:$0xC684];
	_ =	sdelay $0x4  }
0x6b: {  	v5 =	vmin.f32 v5, v6  }
0x6c: {  	[tilespmem:$0xC680] =	vst v5  }
0x6d: {  	v6 =	vld [tilespmem:$0xC682];
	_ =	sdelay $0x4  }
0x6e: {  	v5 =	vmin.f32 v5, v6  }
0x6f: {  	[tilespmem:$0xC680] =	vst v5  }
0x70: {  	s16 =	sand.u32 $0x7FFFFFF0, s17;
	v6 =	vld [tilespmem:$0xC681]  }
0x71: {  	v7 =	vld [tilespmem:s16+$0x8200];
	_ =	sdelay $0x3  }
0x72: {  	v5 =	vmin.f32 v5, v6  }
.Ltmp9:
0x73: {  	v5 =	vadd.f32 $0.0e+00, v5;
	(pc) =	sbr.rel @p3 .LBB2_8-.Ltmp9, $4  }
0x74: {  	s17 =	sand.u32 $0xF, s17  }
0x75: {  	v6 =	vmov s17;
	v5 =	vbroadcast v5, $0x0  }
0x76: {  	vm0 =	veq.s32 v6, v2  }
0x77: {  	v5 =	vsel vm0, v5, v7  }
.LBB2_9:
0x78: {  	[tilespmem:s16+$0x8200] =	vst v5  }
.LBB2_10:
0x79: {  	_ =	sdelay $0x3  }
0x7a: {  	v5 =	vld.idx.msk [tilespmem:v3+s29+$0x0 ss:$0x1], $0xffff  }
0x7b: {  	v6 =	vld.idx.msk [tilespmem:v3+s29+$0x2080 ss:$0x1], $0xffff  }
0x7c: {  	v7 =	vld.idx.msk [tilespmem:v3+s29+$0x4100 ss:$0x1], $0xffff;
	_ =	sdelay $0x2  }
0x7d: {  	(v2sf) =	vpush v5, $0x0  }
0x7e: {  	(v2sf) =	vpush v6, $0x0  }
0x7f: {  	(v2sf) =	vpush v7, $0x0;
	_ =	sdelay $0xa  }
.Ltmp10:
0x80: {  	_ = 	snop;
	(pc) =	sbr.rel .LBB2_11-.Ltmp10, $4  }
0x81: {  	_ = 	snop  }
0x82: {  	s30 =	spop (v2sf)  }
0x83: {  	s0 =	sadd.s32 s10, s29;
	s16 =	sshll.u32 s29, $0x5;
	s31 =	spop (v2sf)  }
0x84: {  	s17 =	simm.s32 $0x0;
	s18 =	simm.s32 $0x0;
	s2 =	spop (v2sf)  }
.LBB2_14:
0x85: {  	v5 =	vsel vm0, v7, v5;
	v6 =	vsel vm0, v8, v6  }
.LBB2_15:
0x86: {  	[tilespmem:$0xC680] =	vst v5  }
0x87: {  	v7 =	vld [tilespmem:$0xC688];
	_ =	sdelay $0x4  }
0x88: {  	v7 =	vmin.f32 v5, v7  }
0x89: {  	[tilespmem:$0xC680] =	vst v7  }
0x8a: {  	v8 =	vld [tilespmem:$0xC684];
	_ =	sdelay $0x4  }
0x8b: {  	v7 =	vmin.f32 v7, v8  }
0x8c: {  	[tilespmem:$0xC680] =	vst v7  }
0x8d: {  	v62 =	vld [tilespmem:$0xC682];
	_ =	sdelay $0x4  }
0x8e: {  	v7 =	vmin.f32 v7, v62  }
0x8f: {  	[tilespmem:$0xC680] =	vst v7  }
0x90: {  	v63 =	vld [tilespmem:$0xC681];
	_ =	sdelay $0x4  }
0x91: {  	v7 =	vmin.f32 v7, v63  }
0x92: {  	v8 =	vadd.f32 $0.0e+00, v7;
	_ =	sdelay $0x1  }
0x93: {  	v8 =	vbroadcast v8, $0x0;
	_ =	sdelay $0x1  }
0x94: {  	vm0 =	veq.f32 v5, v8  }
0x95: {  	v5 =	vnsel vm0, $0x186A0, v6  }
0x96: {  	[tilespmem:$0xC700] =	vst v5  }
0x97: {  	v6 =	vld [tilespmem:$0xC708];
	_ =	sdelay $0x4  }
0x98: {  	vm0 =	vlt.s32 v5, v6  }
0x99: {  	v5 =	vsel vm0, v5, v6  }
0x9a: {  	[tilespmem:$0xC700] =	vst v5  }
0x9b: {  	v6 =	vld [tilespmem:$0xC704];
	_ =	sdelay $0x4  }
0x9c: {  	vm0 =	vlt.s32 v5, v6  }
0x9d: {  	v5 =	vsel vm0, v5, v6  }
0x9e: {  	[tilespmem:$0xC700] =	vst v5  }
0x9f: {  	v6 =	vld [tilespmem:$0xC702];
	_ =	sdelay $0x4  }
0xa0: {  	vm0 =	vlt.s32 v5, v6  }
0xa1: {  	v5 =	vsel vm0, v5, v6  }
0xa2: {  	[tilespmem:$0xC700] =	vst v5  }
0xa3: {  	v6 =	vld [tilespmem:$0xC701];
	_ =	sdelay $0x4  }
0xa4: {  	vm0 =	vlt.s32 v5, v6  }
0xa5: {  	(v2sf) =	vpush v7, $0x0;
	v5 =	vsel vm0, v5, v6  }
0xa6: {  	(v2sf) =	vpush v5, $0x0;
	_ =	sdelay $0xd  }
0xa7: {  	s21 =	spop (v2sf)  }
0xa8: {  	s19 =	spop (v2sf)  }
0xa9: {  	s20 =	sshll.u32 s19, $0x4  }
0xaa: {  	v5 =	vld [tilespmem:s20+$0x6180];
	_ =	sdelay $0x4  }
0xab: {  	vm12 =	veq.f32 v5, v8  }
0xac: {  	v5 =	vnsel vm12, $0xF, v2  }
0xad: {  	[tilespmem:$0xC700] =	vst v5  }
0xae: {  	v6 =	vld [tilespmem:$0xC708];
	_ =	sdelay $0x4  }
0xaf: {  	vm0 =	vlt.s32 v5, v6  }
0xb0: {  	v5 =	vsel vm0, v5, v6  }
0xb1: {  	[tilespmem:$0xC700] =	vst v5  }
0xb2: {  	v6 =	vld [tilespmem:$0xC704];
	_ =	sdelay $0x4  }
0xb3: {  	vm0 =	vlt.s32 v5, v6  }
0xb4: {  	v5 =	vsel vm0, v5, v6  }
0xb5: {  	[tilespmem:$0xC700] =	vst v5  }
0xb6: {  	v6 =	vld [tilespmem:$0xC702];
	_ =	sdelay $0x4  }
0xb7: {  	vm0 =	vlt.s32 v5, v6  }
0xb8: {  	v5 =	vsel vm0, v5, v6  }
0xb9: {  	[tilespmem:$0xC700] =	vst v5  }
0xba: {  	v6 =	vld [tilespmem:$0xC701];
	_ =	sdelay $0x4  }
0xbb: {  	vm0 =	vlt.s32 v5, v6  }
0xbc: {  	v5 =	vsel vm0, v5, v6  }
0xbd: {  	(v2sf) =	vpush v5, $0x0;
	_ =	sdelay $0xe  }
0xbe: {  	s4 =	spop (v2sf)  }
0xbf: {  	s5 =	sadd.s32 s20, s4  }
0xc0: {  	v5 =	vld.idx.msk [tilespmem:v4+s5+$0x0 ss:$0x1], $0xffff  }
0xc1: {  	v6 =	vld.idx.msk [tilespmem:v4+s5+$0x2080 ss:$0x1], $0xffff;
	_ =	sdelay $0x2  }
0xc2: {  	v7 =	vld.idx.msk [tilespmem:v4+s5+$0x4100 ss:$0x1], $0xffff  }
0xc3: {  	(v2sf) =	vpush v5, $0x0  }
0xc4: {  	(v2sf) =	vpush v6, $0x0;
	_ =	sdelay $0x2  }
0xc5: {  	(v2sf) =	vpush v7, $0x0;
	_ =	sdelay $0x9  }
0xc6: {  	s7 =	sadd.s32 s16, s18;
	s9 =	sand.u32 $0xF, s18  }
0xc7: {  	p3 =	seq.s32 s7, $0x0;
	p4 =	sne.s32 s9, $0x0;
	s6 =	spop (v2sf)  }
0xc8: {  	p3 =	por !p3, !p4;
	s11 =	spop (v2sf);
	s6 =	ssub.f32 s30, s6  }
0xc9: {  	s12 =	simm.s32 $0xFFFFFFFF;
	p3 =	por !p3, !p3;
	s11 =	ssub.f32 s31, s11  }
0xca: {  	s12 =	simm.s32 @!p3 $0x0;
	s6 =	smul.f32 s6, s6  }
0xcb: {  	s12 =	sshll.u32 s12, $0x4;
	s9 =	spop (v2sf);
	s11 =	smul.f32 s11, s11  }
0xcc: {  	s12 =	sadd.s32 s7, s12;
	s9 =	ssub.f32 s2, s9  }
0xcd: {  	s4 =	sand.u32 $0xF, s4;
	s6 =	sadd.f32 s11, s6;
	s11 =	sand.u32 $0xFFFFFFF0, s12  }
0xce: {  	p3 =	sle.f32 s21, $1.000000000e+02;
	p6 =	sne.s32 s4, $0x0;
	s21 =	sshra.s32 s5, $0x1F;
	v5 =	vld [tilespmem:s11+$0x8580]  }
0xcf: {  	p5 =	slt.s32 s5, $0x1;
	s4 =	sshrl.u32 s21, $0x1C;
	s9 =	smul.f32 s9, s9;
	v6 =	vld [tilespmem:s11+$0xA600]  }
0xd0: {  	p4 =	por !p5, !p6;
	s4 =	sadd.s32 s4, s5;
	s7 =	ssub.s32 s7, s11  }
0xd1: {  	s12 =	sadd.s32 s23, s5;
	s6 =	sadd.f32 s9, s6;
	s9 =	smov.u32 s0;
	v7 =	vmov s7  }
0xd2: {  	p4 =	por !p4, !p4;
	s7 =	simm.s32 $0x1;
	s9 =	smov.u32 @p3 s12;
	vm13 =	veq.s32 v7, v2  }
0xd3: {  	s4 =	sshrl.u32 s4, $0x4;
	s7 =	simm.s32 @!p4 $0x0;
	s6 =	simm.s32 @!p3 $0xBF800000;
	v5 =	vsel vm13, s9, v5  }
0xd4: {  	s4 =	ssub.s32 s4, s7;
	[tilespmem:s11+$0x8580] =	vst v5;
	v5 =	vsel vm13, s6, v6  }
0xd5: {  	s4 =	sshll.u32 s4, $0x4;
	[tilespmem:s11+$0xA600] =	vst v5  }
0xd6: {  	v5 =	vld [tilespmem:s4+$0x6180];
	_ =	sdelay $0x1  }
0xd7: {  	s5 =	ssub.s32 s5, s4  }
0xd8: {  	v6 =	vmov s5  }
0xd9: {  	vm14 =	veq.s32 v6, v2  }
0xda: {  	v5 =	vsel vm14, $0x7149F2CA, v5  }
0xdb: {  	[tilespmem:s4+$0x6180] =	vst v5  }
0xdc: {  	v5 =	vld [tilespmem:s20+$0x6180];
	_ =	sdelay $0x4  }
0xdd: {  	[tilespmem:$0xC680] =	vst v5  }
0xde: {  	v6 =	vld [tilespmem:$0xC688];
	_ =	sdelay $0x4  }
0xdf: {  	v5 =	vmin.f32 v5, v6  }
0xe0: {  	[tilespmem:$0xC680] =	vst v5  }
0xe1: {  	v6 =	vld [tilespmem:$0xC684];
	_ =	sdelay $0x4  }
0xe2: {  	v5 =	vmin.f32 v5, v6  }
0xe3: {  	[tilespmem:$0xC680] =	vst v5  }
0xe4: {  	v6 =	vld [tilespmem:$0xC682];
	_ =	sdelay $0x4  }
0xe5: {  	s11 =	sand.u32 $0xF, s19;
	v5 =	vmin.f32 v5, v6  }
0xe6: {  	p5 =	slt.s32 s19, $0x1;
	s12 =	sshra.s32 s19, $0x1F;
	p6 =	sne.s32 s11, $0x0;
	[tilespmem:$0xC680] =	vst v5  }
0xe7: {  	p3 =	por !p5, !p6;
	s20 =	sshrl.u32 s12, $0x1C;
	v6 =	vld [tilespmem:$0xC681]  }
0xe8: {  	s5 =	simm.s32 $0x1;
	p3 =	por !p3, !p3;
	s4 =	sadd.s32 s20, s19  }
0xe9: {  	s5 =	simm.s32 @!p3 $0x0;
	s4 =	sshrl.u32 s4, $0x4  }
0xea: {  	s4 =	ssub.s32 s4, s5  }
0xeb: {  	s4 =	sshll.u32 s4, $0x4  }
0xec: {  	s18 =	sadd.s32 $0x1, s18;
	v5 =	vmin.f32 v5, v6;
	v6 =	vld [tilespmem:s4+$0x8200]  }
0xed: {  	p3 =	sne.s32 s18, $0x20;
	v5 =	vadd.f32 $0.0e+00, v5  }
.Ltmp11:
0xee: {  	s21 =	ssub.s32 s19, s4;
	(pc) =	sbr.rel @!p3 .LBB2_16-.Ltmp11, $4  }
0xef: {  	v7 =	vmov s21;
	v5 =	vbroadcast v5, $0x0  }
0xf0: {  	vm15 =	veq.s32 v7, v2  }
0xf1: {  	v5 =	vsel vm15, v5, v6  }
0xf2: {  	[tilespmem:s4+$0x8200] =	vst v5  }
.LBB2_11:
.Ltmp12:
0xf3: {  	(pc) =	sbr.rel @p2 .LBB2_15-.Ltmp12, $2  }
0xf4: {  	_ =	sdelay $0x2  }
0xf5: {  	v5 =	vimm.f32 $1.000000020e+30;
	v6 =	vimm.s32 $0x186A0;
	s20 =	simm.s32 $0x8200  }
0xf6: {  	v7 =	vld [tilespmem:s20+$0x0];
	p3 =	sne.s32 s25, $0x1  }
.Ltmp13:
0xf7: {  	_ = 	snop;
	(pc) =	sbr.rel @!p3 .LBB2_14-.Ltmp13, $2  }
0xf8: {  	_ =	sdelay $0x2  }
0xf9: {  	s19 =	sadd.s32 $0xFFFFFFFF, s25;
	v8 =	vor.u32 s17, v2;
	s20 =	sadd.s32 $0x10, s20;
	s21 =	simm.s32 $0x0;
	vm0 =	vlt.f32 v7, v5  }
.LBB2_13:
0xfa: {  	p3 =	sne.s32 s19, $0x1;
	s19 =	sadd.s32 $0xFFFFFFFF, s19;
	v5 =	vsel vm0, v7, v5;
	v7 =	vld [tilespmem:s20+$0x0];
	v6 =	vsel vm0, v8, v6  }
.Ltmp14:
0xfb: {  	(pc) =	sbr.rel @p3 .LBB2_13-.Ltmp14, $3  }
0xfc: {  	_ =	sdelay $0x1  }
0xfd: {  	s21 =	sadd.s32 $0x10, s21  }
0xfe: {  	s20 =	sadd.s32 $0x10, s20;
	v8 =	vor.u32 s21, v2;
	vm0 =	vlt.f32 v7, v5  }
.Ltmp15:
0xff: {  	_ = 	snop;
	(pc) =	sbr.rel .LBB2_14-.Ltmp15, $1  }
0x100: {  	_ =	sdelay $0x3  }
.LBB2_18:
0x101: {  	_ =	sfence.sel $0x180000  }
0x102: {  	[bflag:$0x0] =	sbarrier.arrive $0xFFFF  }
0x103: {  	_ =	strace $0x9000004A  }
0x104: {  	s0 =	stileid.u32;
	[bflag:$0x2] =	sbarrier.arrive $0xFFFF  }
0x105: {  	p0 =	sne.s32 s0, $0x0;
	s0 =	rddreg [dreg:$0x3]  }
0x106: {  	s0 =	sadd.s32 @!p0 $0x100000, s0  }
0x107: {  	[sflag:s0] =	ssyncadd.tile.s32 @!p0 $0x1;
	_ =	shalt  }
.Lfunc_end2:
_tile_overlayer_lowered:
.L_overlay_start_2:
0x108: {  	(tag) =	ssettag $0x2  }
0x109: {  	s0 =	rddreg [dreg:$0x0];
	s2 =	stileid.u32  }
0x10a: {  	s1 =	rddreg [dreg:$0x1];
	p0 =	sne.s32 s2, $0x0  }
0x10b: {  	s3 =	rddreg [dreg:$0x2];
	[bflag:$0x3] =	sbarrier.arrive $0xFFFF;
	s2 =	simm.s32 @!p0 $0x1C01  }
0x10c: {  	[timem:s3], [sflag:s2] =	dma.local @!p0 [hbm:s0], s1  }
0x10d: {  	s0 =	simm.s32 @!p0 $0x1  }
0x10e: {  	_ =	swait.ge @!p0 [sflag:s0], s1  }
0x10f: {  	s1 =	ssub.s32 @!p0 $0x0, s1;
	[sflag:s0] =	ssyncset.done @!p0 $0x0  }
0x110: {  	[sflag:s0] =	ssyncadd.s32 @!p0 s1  }
0x111: {  	[bflag:$0x3] =	sbarrier.arrive $0xFFFF  }
0x112: {  	_ =	shalt  }

// kernel: sparse-core-data-format-call.cloned.1.call-start
scs
called_computation_lowered:
.L_overlay_start_0:
0x0: {  	s1 =	sld [smem:$0x3FD9]  }
0x1: {  	s2 =	sld [smem:$0x3FFE];
	_ =	sdelay $0x1  }
0x2: {  	s3 =	srdreg.scid  }
0x3: {  	s0 =	sand.u32 $0x1, s3  }
0x4: {  	s17 =	sshll.u32 s0, $0xA;
	s1 =	sadd.s32 s2, s1  }
0x5: {  	s1 =	sadd.s32 s1, s17  }
0x6: {  	[smem:$0x3FC6] =	sst s1  }
0x7: {  	_ = 	snop  }
0x8: {  	(tm) =	ssettm $0x1  }
0x9: {  	s18 =	sld [smem:$0x3FFB];
	_ =	sdelay $0x3  }
0xa: {  	_ =	strace s18  }
0xb: {  	s1 =	sld [smem:$0x3FFC];
	_ =	sdelay $0x3  }
0xc: {  	_ =	strace s1  }
0xd: {  	s1 =	sld [smem:$0x3FFD];
	_ =	sdelay $0x3  }
0xe: {  	_ =	strace s1  }
0xf: {  	_ =	strace $0x8FFFFFFF  }
0x10: {  	s19 =	sld [smem:$0x3FDB];
	_ =	sdelay $0x1  }
0x11: {  	s20 =	simm.s32 $_scs_section_size  }
0x12: {  	s4 =	simm.s32 $_size__tile_overlayer_lowered;
	s5 =	simm.s32 $_tile_overlayer_lowered  }
0x13: {  	s23 =	simm.s32 $0x1BFF;
	s22 =	sshll.u32 s5, $0x1;
	s1 =	sadd.s32 s20, s19  }
0x14: {  	s6 =	simm.s32 $0x0;
	s21 =	sshll.u32 s4, $0x1;
	s4 =	sadd.s32 s22, s1  }
0x15: {  	[timem:s6], [sflag:s23] =	dma.local [hbm:s4], s21  }
0x16: {  	_ =	swait.ge [sflag:s23], s21  }
0x17: {  	s2 =	ssub.s32 $0x0, s21;
	[sflag:s23] =	ssyncset.done $0x0  }
0x18: {  	[sflag:s23] =	ssyncadd.s32 s2;
	_ =	sdelay $0x1  }
0x19: {  	s24 =	simm.s32 $0x1B8B  }
0x1a: {  	_ =	swait.ge [sflag:s24], $0x1  }
0x1b: {  	[sflag:s24] =	ssyncset.done $0x0  }
0x1c: {  	s26 =	simm.s32 $0x1B8E;
	s25 =	sld [smem:$0x3FFE];
	[sflag:s24] =	ssyncadd.s32 $0xFFFFFFFF  }
0x1d: {  	s27 =	simm.s32 $execute0_lowered;
	[smem:$0x3FD2] =	sst s26  }
0x1e: {  	s4 =	sshll.u32 s27, $0x1;
	_ =	strace $0x80000046;
	[dreg:$0x1] =	wrdreg $0xFFFFFFFF  }
0x1f: {  	s28 =	simm.s32 $_size_execute0_lowered;
	s1 =	sadd.s32 s1, s4;
	[dreg:$0x0] =	wrdreg $0x0  }
0x20: {  	s4 =	sshll.u32 s28, $0x1;
	[dreg:$0x2] =	wrdreg s1  }
0x21: {  	[dreg:$0x3] =	wrdreg s4  }
0x22: {  	[dreg:$0x4] =	wrdreg $0xC0  }
0x23: {  	_ =	task [dreg:s6], $0x5FFFF  }
0x24: {  	[dreg:$0x1] =	wrdreg $0xFFFFFFFF  }
0x25: {  	[dreg:$0x0] =	wrdreg $0x60  }
0x26: {  	[dreg:$0x2] =	wrdreg s25  }
0x27: {  	[dreg:$0x3] =	wrdreg $0x9  }
0x28: {  	_ =	task.clear_ibuf [dreg:s6], $0x4FFFF;
	_ =	strace $0x90000046  }
0x29: {  	s29 =	simm.s32 $0x9;
	_ =	strace $0x80000048  }
0x2a: {  	_ =	swait.ge [sflag:s29], $0x1  }
0x2b: {  	[sflag:s29] =	ssyncadd.s32 $0xFFFFFFFF  }
0x2c: {  	_ =	strace $0x90000048  }
0x2d: {  	_ =	sfence  }
0x2e: {  	s30 =	sld [smem:$0x0];
	_ =	sdelay $0x2  }
0x2f: {  	s31 =	sshll.u32 s3, $0xD;
	s3 =	sshrl.u32 s3, $0x2  }
0x30: {  	s2 =	sand.u32 $0x4000, s31;
	s1 =	sadd.s32 s3, s30  }
0x31: {  	s0 =	sor.u32 s2, s0;
	s1 =	sshll.u32 s1, $0x11  }
0x32: {  	s0 =	sor.u32 s1, s0  }
0x33: {  	s0 =	sadd.s32 $0x8F2B, s0  }
0x34: {  	[sflag:s0] =	ssyncadd.remote.s32 $0x1  }
0x35: {  	_ =	sfence.sel $0xFFFF  }
0x36: {  	[dreg:$0x0] =	wrdreg $0xFFFFFFFF;
	(pc) =	sbr.abs _section_cstart, $3  }
0x37: {  	[dreg:$0x1] =	wrdreg $0xFFFFFFFF  }
0x38: {  	_ =	task.clear_ibuf [dreg:s6], $0x2FFFF;
	_ =	strace $0x9FFFFFFF  }
0x39: {  	(tm) =	ssettm $0x7FFFFFFF  }
tec
execute0_lowered:
.L_overlay_start_1:
0x0: {  	(tag) =	ssettag $0x1  }
0x1: {  	s1 =	rddreg [dreg:$0x0]  }
0x2: {  	s0 =	rddreg [dreg:$0x1]  }
0x3: {  	_ =	strace $0x80000047;
	s4 =	srdreg.scid;
	s6 =	simm.s32 $0x2  }
0x4: {  	s11 =	simm.s32 $0x0;
	p0 =	por $0x0, $0x0;
	s7 =	simm.s32 $0x2000  }
.Ltmp0:
0x5: {  	s12 =	simm.s32 $0x0;
	s9 =	simm.s32 $0x0;
	(pc) =	sbr.rel .LBB1_1-.Ltmp0, $4  }
0x6: {  	s2 =	sadd.s32 $0x2400, s1;
	s3 =	sadd.s32 $0x802400, s1;
	s5 =	sshll.u32 s4, $0x4  }
0x7: {  	s1 =	stileid.u32;
	s4 =	simm.s32 $0x1;
	s5 =	sand.u32 $0x10, s5  }
0x8: {  	s8 =	simm.s32 $0x0;
	[sflag:s4] =	ssyncpa.u1 $0x0;
	s5 =	sor.u32 s1, s5  }
0x9: {  	[sflag:s6] =	ssyncpa.u1 $0x0;
	s6 =	simm.s32 $0x800;
	s10 =	smov.u32 s5  }
.LBB1_7:
0xa: {  	s13 =	sadd.s32 $0x10, s9  }
0xb: {  	s11 =	sadd.s32 $0x20, s10;
	s15 =	smov.u32 s10;
	p2 =	sgt.s32 s13, $0x3F  }
0xc: {  	p1 =	slt.u32 s8, $0x2;
	s15 =	smov.u32 @p2 s11  }
0xd: {  	s8 =	sadd.s32 $0x1, s8;
	s13 =	simm.s32 @p2 $0x0;
	p2 =	sgt.s32 s15, $0x3FF  }
0xe: {  	s15 =	smov.u32 @p2 s5;
	p2 =	sne.s32 s8, $0x82  }
.Ltmp1:
0xf: {  	_ = 	snop;
	(pc) =	sbr.rel @!p2 .LBB1_8-.Ltmp1, $4  }
0x10: {  	s14 =	simm.s32 @!p1 $0x2  }
0x11: {  	s12 =	smov.u32 s10;
	_ =	swait.ge @!p1 [sflag:s14], $0x4000  }
0x12: {  	p0 =	por !p0, !p0;
	s11 =	smov.u32 s9;
	[sflag:s14] =	ssyncset.done @!p1 $0x0  }
0x13: {  	s9 =	smov.u32 s13;
	[sflag:s14] =	ssyncadd.s32 @!p1 $0xFFFFC000;
	s10 =	smov.u32 s15  }
.LBB1_1:
0x14: {  	p1 =	sgt.u32 s8, $0x7F  }
0x15: {  	s13 =	sxor.u32 @!p1 $0xFFFFFFFF, s8;
	s14 =	sshll.u32 @!p1 s10, $0xD  }
0x16: {  	s15 =	sshll.u32 @!p1 s9, $0x7;
	s13 =	sshll.u32 @!p1 s13, $0xE;
	s14 =	sadd.s32 @!p1 s2, s14  }
0x17: {  	s13 =	sand.u32 @!p1 $0x4000, s13;
	s14 =	sadd.s32 @!p1 s15, s14;
	s15 =	simm.s32 @!p1 $0x0  }
0x18: {  	[tilespmem:s13], [sflag:$0x1] =	stream.linear.gather @!p1 [hbm4b:s14+s15], $0x4000, $0x38;
	[tilespmem:$0x10000] =	vst v63  }
0x19: {  	p1 =	seq.s32 s8, $0x0  }
0x1a: {  	p2 =	seq.s32 @!p1 s8, $0x81  }
0x1b: {  	p1 =	por p1, p2  }
.Ltmp2:
0x1c: {  	_ = 	snop;
	(pc) =	sbr.rel @p1 .LBB1_7-.Ltmp2, $1  }
0x1d: {  	_ =	sdelay $0x3  }
0x1e: {  	s13 =	simm.s32 $0x1;
	_ =	swait.ge [sflag:s4], $0x4000;
	s16 =	sshll.u32 s8, $0xE  }
0x1f: {  	s13 =	simm.s32 @!p0 $0x0;
	[sflag:s4] =	ssyncset.done $0x0;
	s31 =	sand.u32 $0x4000, s16  }
0x20: {  	s16 =	simm.s32 $0x0;
	s14 =	sshll.u32 s13, $0xE;
	[sflag:s4] =	ssyncadd.s32 $0xFFFFC000  }
0x21: {  	s13 =	sor.u32 $0x8040, s14;
	s15 =	sor.u32 $0x40, s14;
	s14 =	sor.u32 $0x8000, s31  }
.LBB1_3:
0x22: {  	v0 =	vmov s15;
	_ =	sdelay $0x3  }
0x23: {  	s18 =	simm.s32 $0x0  }
0x24: {  	v6 =	vld.idx.msk [tilespmem:v0+s18+$0x30 ss:$0x1], $0xffff  }
0x25: {  	v7 =	vld.idx.msk [tilespmem:v0+s18+$0xFFFFFFC0 ss:$0x1], $0xffff  }
0x26: {  	v5 =	vld.idx.msk [tilespmem:v0+s18+$0xFFFFFFD0 ss:$0x1], $0xffff  }
0x27: {  	v4 =	vld.idx.msk [tilespmem:v0+s18+$0xFFFFFFE0 ss:$0x1], $0xffff  }
0x28: {  	v3 =	vld.idx.msk [tilespmem:v0+s18+$0xFFFFFFF0 ss:$0x1], $0xffff  }
0x29: {  	v1 =	vld.idx.msk [tilespmem:v0+s18+$0x0 ss:$0x1], $0xffff  }
0x2a: {  	v2 =	vld.idx.msk [tilespmem:v0+s18+$0x10 ss:$0x1], $0xffff;
	[tilespmem:s13+$0x30] =	vst v6  }
0x2b: {  	s17 =	simm.s32 $0x80;
	s19 =	simm.s32 $0x400;
	[tilespmem:s13+$0xFFFFFFC0] =	vst v7;
	v6 =	vld.idx.msk [tilespmem:v0+s18+$0x20 ss:$0x1], $0xffff;
	s18 =	smov.u32 s13  }
.LBB1_4:
0x2c: {  	p1 =	sne.s32 s19, $0xE00;
	v7 =	vld.idx.msk [tilespmem:v0+s17+$0x30 ss:$0x1], $0xffff;
	[tilespmem:s18+$0xFFFFFFD0] =	vst v5  }
0x2d: {  	v8 =	vld.idx.msk [tilespmem:v0+s17+$0xFFFFFFC0 ss:$0x1], $0xffff;
	[tilespmem:s18+$0xFFFFFFE0] =	vst v4  }
0x2e: {  	v5 =	vld.idx.msk [tilespmem:v0+s17+$0xFFFFFFD0 ss:$0x1], $0xffff;
	[tilespmem:s18+$0xFFFFFFF0] =	vst v3  }
.Ltmp3:
0x2f: {  	v4 =	vld.idx.msk [tilespmem:v0+s17+$0xFFFFFFE0 ss:$0x1], $0xffff;
	[tilespmem:s18+$0x0] =	vst v1;
	(pc) =	sbr.rel @p1 .LBB1_4-.Ltmp3, $4  }
0x30: {  	v3 =	vld.idx.msk [tilespmem:v0+s17+$0xFFFFFFF0 ss:$0x1], $0xffff;
	[tilespmem:s18+$0x10] =	vst v2  }
0x31: {  	v1 =	vld.idx.msk [tilespmem:v0+s17+$0x0 ss:$0x1], $0xffff;
	[tilespmem:s18+$0x20] =	vst v6;
	s18 =	sadd.s32 $0x800, s18  }
0x32: {  	v2 =	vld.idx.msk [tilespmem:v0+s17+$0x10 ss:$0x1], $0xffff;
	[tilespmem:s18+$0x30] =	vst v7  }
0x33: {  	[tilespmem:s18+$0xFFFFFFC0] =	vst v8;
	v6 =	vld.idx.msk [tilespmem:v0+s17+$0x20 ss:$0x1], $0xffff;
	s17 =	sshra.s32 s19, $0x2;
	s19 =	sadd.s32 $0x200, s19  }
0x34: {  	_ =	sdelay $0x2  }
0x35: {  	[tilespmem:s18+$0xFFFFFFD0] =	vst v5  }
0x36: {  	v56 =	vld.idx.msk [tilespmem:v0+s17+$0x30 ss:$0x1], $0xffff;
	[tilespmem:s18+$0xFFFFFFE0] =	vst v4  }
0x37: {  	v57 =	vld.idx.msk [tilespmem:v0+s17+$0xFFFFFFC0 ss:$0x1], $0xffff;
	[tilespmem:s18+$0xFFFFFFF0] =	vst v3  }
0x38: {  	v58 =	vld.idx.msk [tilespmem:v0+s17+$0xFFFFFFD0 ss:$0x1], $0xffff;
	[tilespmem:s18+$0x0] =	vst v1  }
0x39: {  	v59 =	vld.idx.msk [tilespmem:v0+s17+$0xFFFFFFE0 ss:$0x1], $0xffff;
	[tilespmem:s18+$0x10] =	vst v2  }
0x3a: {  	v60 =	vld.idx.msk [tilespmem:v0+s17+$0xFFFFFFF0 ss:$0x1], $0xffff;
	s31 =	sadd.s32 $0x800, s18;
	[tilespmem:s18+$0x20] =	vst v6  }
0x3b: {  	v61 =	vld.idx.msk [tilespmem:v0+s17+$0x0 ss:$0x1], $0xffff;
	[tilespmem:s31+$0x30] =	vst v56  }
0x3c: {  	v62 =	vld.idx.msk [tilespmem:v0+s17+$0x10 ss:$0x1], $0xffff;
	s16 =	sadd.s32 $0x1, s16;
	[tilespmem:s31+$0xFFFFFFC0] =	vst v57  }
0x3d: {  	v63 =	vld.idx.msk [tilespmem:v0+s17+$0x20 ss:$0x1], $0xffff;
	p1 =	sne.s32 s16, $0x10;
	[tilespmem:s31+$0xFFFFFFD0] =	vst v58  }
.Ltmp4:
0x3e: {  	[tilespmem:s31+$0xFFFFFFE0] =	vst v59;
	(pc) =	sbr.rel @p1 .LBB1_3-.Ltmp4, $4  }
0x3f: {  	[tilespmem:s31+$0xFFFFFFF0] =	vst v60  }
0x40: {  	[tilespmem:s31+$0x0] =	vst v61  }
0x41: {  	[tilespmem:s31+$0x10] =	vst v62  }
0x42: {  	s13 =	sadd.s32 $0x80, s13;
	s15 =	sadd.s32 $0x400, s15;
	[tilespmem:s31+$0x20] =	vst v63  }
.Ltmp5:
0x43: {  	(pc) =	sbr.rel .LBB1_7-.Ltmp5, $4  }
0x44: {  	s12 =	sshll.u32 s12, $0xD;
	s11 =	sshll.u32 s11, $0x4  }
0x45: {  	s11 =	sand.u32 $0x3F0, s11;
	s12 =	sadd.s32 s3, s12  }
0x46: {  	s11 =	sadd.s32 s11, s12  }
0x47: {  	[hbm4b:s11+s6] =	stream.strided.scatter [tilespmem:s14], [sflag:$0x2], $0x4000, s7, s6, $0x38;
	[tilespmem:$0x10000] =	vst v63  }
.LBB1_8:
0x48: {  	_ =	sfence.sel $0x180000  }
0x49: {  	s2 =	simm.s32 $0x1;
	[bflag:$0x0] =	sbarrier.arrive $0xFFFF  }
0x4a: {  	s31 =	simm.s32 $0x2;
	[sflag:s2] =	ssyncpa.u1 $0x1  }
0x4b: {  	[sflag:s31] =	ssyncpa.u1 $0x1  }
0x4c: {  	p0 =	sne.s32 s1, $0x0;
	_ =	strace $0x90000047  }
0x4d: {  	s0 =	sadd.s32 @!p0 $0x100000, s0;
	[bflag:$0x2] =	sbarrier.arrive $0xFFFF  }
0x4e: {  	[sflag:s0] =	ssyncadd.tile.s32 @!p0 $0x1;
	_ =	shalt  }
.Lfunc_end1:
_tile_overlayer_lowered:
.L_overlay_start_2:
0x4f: {  	(tag) =	ssettag $0x2  }
0x50: {  	s0 =	rddreg [dreg:$0x0];
	s2 =	stileid.u32  }
0x51: {  	s1 =	rddreg [dreg:$0x1];
	p0 =	sne.s32 s2, $0x0  }
0x52: {  	s3 =	rddreg [dreg:$0x2];
	[bflag:$0x3] =	sbarrier.arrive $0xFFFF;
	s2 =	simm.s32 @!p0 $0x1C01  }
0x53: {  	[timem:s3], [sflag:s2] =	dma.local @!p0 [hbm:s0], s1  }
0x54: {  	s0 =	simm.s32 @!p0 $0x1  }
0x55: {  	_ =	swait.ge @!p0 [sflag:s0], s1  }
0x56: {  	s1 =	ssub.s32 @!p0 $0x0, s1;
	[sflag:s0] =	ssyncset.done @!p0 $0x0  }
0x57: {  	[sflag:s0] =	ssyncadd.s32 @!p0 s1  }
0x58: {  	[bflag:$0x3] =	sbarrier.arrive $0xFFFF  }
0x59: {  	_ =	shalt  }

</sc_bundles>
